<compile_context>
chip_gen: v7x
topology: tpu7x:2x2x1
jax: 0.10.2.dev20260603
libtpu: 0.0.44.dev20260713+nightly
codegen_flags: <defaults>
</compile_context>

<pallas_src>
import functools

import numpy as np
import jax
import jax.numpy as jnp
from jax import lax
from jax.experimental import pallas as pl
from jax.experimental.pallas import tpu as pltpu
from jax.experimental.pallas import tpu_sc as plsc

N = 16384
N_PAIRS = 32
LANES = 16
SLICE = N // LANES
NBINS = 128
UNROLL = 4
INV_TOTAL = 1.0 / (N * N_PAIRS)

_U32 = np.uint32


def _threefry2x32(k0, k1, x0, x1):
    x0 = x0.astype(_U32).copy()
    x1 = x1.astype(_U32).copy()
    ks0 = _U32(k0)
    ks1 = _U32(k1)
    ks2 = _U32(np.uint32(0x1BD11BDA) ^ ks0 ^ ks1)
    ks = [ks0, ks1, ks2]
    rotations = [(13, 15, 26, 6), (17, 29, 16, 24)]
    with np.errstate(over="ignore"):
        x0 = (x0 + ks0).astype(_U32)
        x1 = (x1 + ks1).astype(_U32)
        for i in range(5):
            for r in rotations[i % 2]:
                x0 = (x0 + x1).astype(_U32)
                x1 = ((x1 << _U32(r)) | (x1 >> _U32(32 - r))).astype(_U32)
                x1 = (x1 ^ x0).astype(_U32)
            x0 = (x0 + ks[(i + 1) % 3]).astype(_U32)
            x1 = (x1 + ks[(i + 2) % 3] + _U32(i + 1)).astype(_U32)
    return x0, x1


def _sigma_const():
    rows = []
    lo = np.zeros(N, dtype=_U32)
    counts = np.arange(N, dtype=_U32)
    for n in range(N_PAIRS):
        a, b = _threefry2x32(0, 42, np.array([0], _U32), np.array([n], _U32))
        o0, o1 = _threefry2x32(a[0], b[0], lo, counts)
        bits = o0 ^ o1
        r = ((bits >> _U32(9)) | _U32(0x3F800000)).view(np.float32) - np.float32(1.0)
        r = np.maximum(np.float32(0.0), r)
        sig = np.argsort(r, kind="stable").astype(np.int32)
        rows.append(sig.reshape(LANES, SLICE).T.reshape(N))
    return np.stack(rows)


_SIGMA_T = _sigma_const()


@functools.cache
def _build_rankloss_sc():
    return functools.partial(
        pl.kernel,
        mesh=plsc.VectorSubcoreMesh(core_axis_name="c", subcore_axis_name="s"),
        compiler_params=pltpu.CompilerParams(needs_layout_passes=False),
        out_type=jax.ShapeDtypeStruct((N_PAIRS, LANES), jnp.float32),
        scratch_types=[
            pltpu.VMEM((N,), jnp.float32),
            pltpu.VMEM((N,), jnp.float32),
            pltpu.VMEM((N,), jnp.int32),
            pltpu.VMEM((N + 2 * LANES,), jnp.int32),
            pltpu.VMEM((N + 2 * LANES,), jnp.int32),
            pltpu.VMEM((N,), jnp.int32),
            pltpu.VMEM((N,), jnp.int32),
            pltpu.VMEM((NBINS * LANES,), jnp.int32),
            pltpu.VMEM((NBINS * LANES,), jnp.int32),
            pltpu.VMEM((LANES,), jnp.float32),
            pltpu.SemaphoreType.DMA,
        ],
    )(_rankloss_sc)


def _rankloss_sc(pred_hbm, count_hbm, groups_hbm, sigma_hbm, out_hbm,
                 pred_v, count_v, groups_v, sigt_v, gt_v, a_v, b_v,
                 cnt2_v, cnts_v, out_v, dma_sem):
    wid = lax.axis_index("c") * 16 + lax.axis_index("s")

    early_copies = [
        pltpu.async_copy(groups_hbm, groups_v, dma_sem),
        pltpu.async_copy(sigma_hbm.at[wid], sigt_v.at[pl.ds(0, N)], dma_sem),
    ]
    late_copies = [
        pltpu.async_copy(pred_hbm, pred_v, dma_sem),
        pltpu.async_copy(count_hbm, count_v, dma_sem),
    ]

    lane = lax.iota(jnp.int32, LANES)
    lane_base = lane * SLICE
    lane16 = lane
    zeros = jnp.zeros((LANES,), jnp.int32)
    ones = jnp.ones((LANES,), jnp.int32)

    @plsc.parallel_loop(0, NBINS, unroll=4)
    def zero_body(i):
        off = i * LANES
        cnt2_v[pl.ds(off, LANES)] = zeros
        cnts_v[pl.ds(off, LANES)] = zeros

    for c in early_copies:
        c.wait()

    @plsc.parallel_loop(0, SLICE, unroll=8)
    def hist_body(s):
        off = s * LANES
        vs = sigt_v[pl.ds(off, LANES)]
        gs = plsc.load_gather(groups_v, [vs])
        plsc.addupdate_scatter(cnts_v, [gs * LANES + lane16], ones)
        gi = plsc.load_gather(groups_v, [lane_base + s])
        gt_v[pl.ds(off, LANES)] = gi
        plsc.addupdate_scatter(cnt2_v, [gi * LANES + lane16], ones)

    def prefix_body(g, carry):
        off = g * LANES
        row2 = cnt2_v[pl.ds(off, LANES)]
        rows = cnts_v[pl.ds(off, LANES)]
        incl2 = plsc.cumsum(row2)
        incls = plsc.cumsum(rows)
        cnt2_v[pl.ds(off, LANES)] = incl2 - row2 + carry
        cnts_v[pl.ds(off, LANES)] = incls - rows + carry
        return carry + jnp.sum(row2)
    lax.fori_loop(0, NBINS, prefix_body, jnp.int32(0))

    gt_v[pl.ds(N, LANES)] = zeros
    gt_v[pl.ds(N + LANES, LANES)] = zeros
    sigt_v[pl.ds(N, LANES)] = zeros
    sigt_v[pl.ds(N + LANES, LANES)] = zeros

    gi0 = gt_v[pl.ds(0, LANES)]
    vs0 = sigt_v[pl.ds(0, LANES)]
    gs0 = plsc.load_gather(groups_v, [vs0])
    carry0 = (gi0 * LANES + lane16, vs0, gs0 * LANES + lane16,
              gt_v[pl.ds(LANES, LANES)], sigt_v[pl.ds(LANES, LANES)])

    def build_body(s, carry):
        addr2, vs, addrs, gi1, vs1 = carry
        gs1 = plsc.load_gather(groups_v, [vs1])
        pos2 = plsc.load_gather(cnt2_v, [addr2])
        poss = plsc.load_gather(cnts_v, [addrs])
        plsc.store_scatter(cnt2_v, [addr2], pos2 + 1)
        plsc.store_scatter(a_v, [pos2], lane_base + s)
        plsc.store_scatter(cnts_v, [addrs], poss + 1)
        plsc.store_scatter(b_v, [poss], vs)
        off2 = (s + 2) * LANES
        return (gi1 * LANES + lane16, vs1, gs1 * LANES + lane16,
                gt_v[pl.ds(off2, LANES)], sigt_v[pl.ds(off2, LANES)])
    lax.fori_loop(0, SLICE, build_body, carry0)

    for c in late_copies:
        c.wait()

    @plsc.parallel_loop(0, SLICE, unroll=8,
                        carry=jnp.zeros((LANES,), jnp.float32))
    def acc_body(s, acc):
        off = s * LANES
        u = a_v[pl.ds(off, LANES)]
        v = b_v[pl.ds(off, LANES)]
        pu = plsc.load_gather(pred_v, [u])
        pv = plsc.load_gather(pred_v, [v])
        cu = plsc.load_gather(count_v, [u])
        cv = plsc.load_gather(count_v, [v])
        d = pu - pv
        return acc + jnp.maximum(jnp.where(cu > cv, -d, d), 0.0)
    acc = acc_body

    out_v[...] = acc * INV_TOTAL
    pltpu.sync_copy(out_v, out_hbm.at[wid])


def kernel(pred, count, groups):
    sigma = jnp.asarray(_SIGMA_T)
    partials = _build_rankloss_sc()(pred, count, groups, sigma)
    return jnp.sum(partials)

# --- scband reference (transcript-rebuilt; emitter-appended) ---
"""Pipeline reference for scband-ranking-loss-24429773979794 (READ-ONLY COPY).

The authoritative reference and input builder live on the scoring server;
editing this copy changes nothing except your own understanding.
"""

import jax, jax.numpy as jnp
import numpy as np

N_PAIR = 32


def _group_perm_idxs(key, groups):
    # Produce a random permutation that only shuffles indices within the same group.
    n = groups.shape[0]
    r = jax.random.uniform(key, (n,), dtype=jnp.float32)
    # stable sort by group: positions of each group's members in original order
    a = jnp.argsort(groups)
    # sort by (group, random): same group blocks, random order within block
    comp = groups.astype(jnp.float32) * 2.0 + r
    b = jnp.argsort(comp)
    perm_idxs = jnp.zeros((n,), dtype=jnp.int32).at[a].set(b.astype(jnp.int32))
    return perm_idxs


def _margin_ranking_loss(x1, x2, target, margin=0.0):
    return jnp.mean(jnp.maximum(0.0, -target * (x1 - x2) + margin))


def setup_inputs(seed: int = 0) -> dict:
    key = jax.random.key(seed)
    k1, k2, k3 = jax.random.split(key, 3)
    pred = jax.random.normal(k1, (16384,), dtype=jnp.float32)
    count = jax.random.uniform(k2, (16384,), dtype=jnp.float32)
    groups = jax.random.randint(k3, (16384,), 0, 100).astype(jnp.int32)
    return {"pred": pred, "count": count, "groups": groups}


def reference(pred, count, groups):
    key = jax.random.key(42)
    loss = jnp.float32(0.0)
    for n in range(N_PAIR):
        k = jax.random.fold_in(key, n)
        pidx = _group_perm_idxs(k, groups)
        perm_pred = jnp.take(pred, pidx, axis=0)
        perm_count = jnp.take(count, pidx, axis=0)
        target = jnp.where(count > perm_count, 1.0, -1.0).astype(jnp.float32)
        loss = loss + _margin_ranking_loss(pred, perm_pred, target)
    return loss / N_PAIR

if __name__ == "__main__":
    import jax
    _d = setup_inputs()
    print(jax.jit(kernel)(*tuple(_d.values())))

</pallas_src>

<mosaic_0001>
#map = affine_map<(d0, d1) -> (0)>
#map1 = affine_map<(d0, d1) -> (0, 0)>
module attributes {stable_mosaic.version = 14 : i64} {
  func.func @_rankloss_sc(%arg0: i32, %arg1: i32, %arg2: memref<16384xf32, #tpu.memory_space<hbm>>, %arg3: memref<16384xf32, #tpu.memory_space<hbm>>, %arg4: memref<16384xi32, #tpu.memory_space<hbm>>, %arg5: memref<32x16384xi32, #tpu.memory_space<hbm>>, %arg6: memref<32x16xf32, #tpu.memory_space<hbm>>, %arg7: memref<16384xf32, #tpu.memory_space<vmem>>, %arg8: memref<16384xf32, #tpu.memory_space<vmem>>, %arg9: memref<16384xi32, #tpu.memory_space<vmem>>, %arg10: memref<16416xi32, #tpu.memory_space<vmem>>, %arg11: memref<16416xi32, #tpu.memory_space<vmem>>, %arg12: memref<16384xi32, #tpu.memory_space<vmem>>, %arg13: memref<16384xi32, #tpu.memory_space<vmem>>, %arg14: memref<2048xi32, #tpu.memory_space<vmem>>, %arg15: memref<2048xi32, #tpu.memory_space<vmem>>, %arg16: memref<16xf32, #tpu.memory_space<vmem>>, %arg17: memref<!tpu.dma_semaphore, #tpu.memory_space<semaphore_mem>>) attributes {dimension_semantics = [#tpu.dimension_semantics<core_parallel>, #tpu.dimension_semantics<subcore_parallel>], iteration_bounds = array<i64: 2, 16>, scalar_prefetch = 0 : i64, scratch_operands = 11 : i64, tpu.core_type = #tpu.core_type<sc_vector_subcore>, window_params = [{transform_indices = #map}, {transform_indices = #map}, {transform_indices = #map}, {transform_indices = #map1}, {transform_indices = #map1}]} {
    %mul3A = arith.constant 16 : i32
    %mul3A_0 = arith.muli %arg0, %mul3A : i32
    %add3A = arith.addi %mul3A_0, %arg1 : i32
    tpu.enqueue_dma source(%arg4 : memref<16384xi32, #tpu.memory_space<hbm>>) target(%arg9 : memref<16384xi32, #tpu.memory_space<vmem>>) target_semaphore(%arg17 : memref<!tpu.dma_semaphore, #tpu.memory_space<semaphore_mem>>)
    %dma_start3A = arith.constant 0 : i32
    %dma_start3A_1 = tpu.memref_slice %arg10[%dma_start3A] : memref<16416xi32, #tpu.memory_space<vmem>> -> memref<16384xi32, #tpu.memory_space<vmem>>
    %dma_start3A_2 = arith.constant 0 : i32
    %dma_start3A_3 = tpu.memref_slice %arg5[%add3A, %dma_start3A_2] : memref<32x16384xi32, #tpu.memory_space<hbm>> -> memref<1x16384xi32, #tpu.memory_space<hbm>>
    %dma_start3A_4 = tpu.memref_squeeze %dma_start3A_3 : memref<1x16384xi32, #tpu.memory_space<hbm>> -> memref<16384xi32, #tpu.memory_space<hbm>>
    %dma_start3A_5 = arith.constant 0 : i32
    %dma_start3A_6 = tpu.memref_slice %arg10[%dma_start3A_5] : memref<16416xi32, #tpu.memory_space<vmem>> -> memref<16384xi32, #tpu.memory_space<vmem>>
    %dma_start3A_7 = arith.constant 0 : i32
    %dma_start3A_8 = tpu.memref_slice %arg5[%add3A, %dma_start3A_7] : memref<32x16384xi32, #tpu.memory_space<hbm>> -> memref<1x16384xi32, #tpu.memory_space<hbm>>
    %dma_start3A_9 = tpu.memref_squeeze %dma_start3A_8 : memref<1x16384xi32, #tpu.memory_space<hbm>> -> memref<16384xi32, #tpu.memory_space<hbm>>
    tpu.enqueue_dma source(%dma_start3A_9 : memref<16384xi32, #tpu.memory_space<hbm>>) target(%dma_start3A_6 : memref<16384xi32, #tpu.memory_space<vmem>>) target_semaphore(%arg17 : memref<!tpu.dma_semaphore, #tpu.memory_space<semaphore_mem>>)
    tpu.enqueue_dma source(%arg2 : memref<16384xf32, #tpu.memory_space<hbm>>) target(%arg7 : memref<16384xf32, #tpu.memory_space<vmem>>) target_semaphore(%arg17 : memref<!tpu.dma_semaphore, #tpu.memory_space<semaphore_mem>>)
    tpu.enqueue_dma source(%arg3 : memref<16384xf32, #tpu.memory_space<hbm>>) target(%arg8 : memref<16384xf32, #tpu.memory_space<vmem>>) target_semaphore(%arg17 : memref<!tpu.dma_semaphore, #tpu.memory_space<semaphore_mem>>)
    %iota3A = tpu.iota {dimensions = array<i32: 0>} : vector<16xi32>
    %mul3A_10 = arith.constant 1024 : i32
    %mul3A_11 = vector.broadcast %mul3A_10 : i32 to vector<16xi32>
    %mul3A_12 = arith.muli %iota3A, %mul3A_11 : vector<16xi32>
    %broadcast_in_dim3A = arith.constant 0 : i32
    %broadcast_in_dim3A_13 = vector.broadcast %broadcast_in_dim3A : i32 to vector<16xi32>
    %broadcast_in_dim3A_14 = arith.constant 1 : i32
    %broadcast_in_dim3A_15 = vector.broadcast %broadcast_in_dim3A_14 : i32 to vector<16xi32>
    %parallel_loop3A = arith.constant 0 : i32
    %parallel_loop3A_16 = arith.constant 128 : i32
    %parallel_loop3A_17 = arith.constant 1 : i32
    scf.for %parallel_loop3A_75 = %parallel_loop3A to %parallel_loop3A_16 step %parallel_loop3A_17  : i32 {
      %parallel_loop3A_76 = arith.constant 16 : i32
      %parallel_loop3A_77 = arith.muli %parallel_loop3A_75, %parallel_loop3A_76 : i32
      %parallel_loop3A_78 = arith.index_cast %parallel_loop3A_77 : i32 to index
      %parallel_loop3A_79 = tpu.vector_load %arg14[%parallel_loop3A_78] {strides = array<i32>} : memref<2048xi32, #tpu.memory_space<vmem>>, vector<16xi32>,
      tpu.vector_store %arg14[%parallel_loop3A_78], %broadcast_in_dim3A_13 {strides = array<i32>} : memref<2048xi32, #tpu.memory_space<vmem>>, vector<16xi32>,
      %parallel_loop3A_80 = arith.index_cast %parallel_loop3A_77 : i32 to index
      %parallel_loop3A_81 = tpu.vector_load %arg15[%parallel_loop3A_80] {strides = array<i32>} : memref<2048xi32, #tpu.memory_space<vmem>>, vector<16xi32>,
      tpu.vector_store %arg15[%parallel_loop3A_80], %broadcast_in_dim3A_13 {strides = array<i32>} : memref<2048xi32, #tpu.memory_space<vmem>>, vector<16xi32>,
    } {sc.loop_unroll_factor = 4 : i64, sc.parallel_access}
    tpu.wait_dma2 semaphore(%arg17 : memref<!tpu.dma_semaphore, #tpu.memory_space<semaphore_mem>>) src(%arg4 : memref<16384xi32, #tpu.memory_space<hbm>>) dst(%arg9 : memref<16384xi32, #tpu.memory_space<vmem>>)
    %dma_wait3A = arith.constant 0 : i32
    %dma_wait3A_18 = tpu.memref_slice %arg10[%dma_wait3A] : memref<16416xi32, #tpu.memory_space<vmem>> -> memref<16384xi32, #tpu.memory_space<vmem>>
    %dma_wait3A_19 = arith.constant 0 : i32
    %dma_wait3A_20 = tpu.memref_slice %arg5[%add3A, %dma_wait3A_19] : memref<32x16384xi32, #tpu.memory_space<hbm>> -> memref<1x16384xi32, #tpu.memory_space<hbm>>
    %dma_wait3A_21 = tpu.memref_squeeze %dma_wait3A_20 : memref<1x16384xi32, #tpu.memory_space<hbm>> -> memref<16384xi32, #tpu.memory_space<hbm>>
    %dma_wait3A_22 = arith.constant 0 : i32
    %dma_wait3A_23 = tpu.memref_slice %arg10[%dma_wait3A_22] : memref<16416xi32, #tpu.memory_space<vmem>> -> memref<16384xi32, #tpu.memory_space<vmem>>
    %dma_wait3A_24 = arith.constant 0 : i32
    %dma_wait3A_25 = tpu.memref_slice %arg5[%add3A, %dma_wait3A_24] : memref<32x16384xi32, #tpu.memory_space<hbm>> -> memref<1x16384xi32, #tpu.memory_space<hbm>>
    %dma_wait3A_26 = tpu.memref_squeeze %dma_wait3A_25 : memref<1x16384xi32, #tpu.memory_space<hbm>> -> memref<16384xi32, #tpu.memory_space<hbm>>
    tpu.wait_dma2 semaphore(%arg17 : memref<!tpu.dma_semaphore, #tpu.memory_space<semaphore_mem>>) src(%dma_wait3A_26 : memref<16384xi32, #tpu.memory_space<hbm>>) dst(%dma_wait3A_23 : memref<16384xi32, #tpu.memory_space<vmem>>)
    %parallel_loop3A_27 = arith.constant 0 : i32
    %parallel_loop3A_28 = arith.constant 1024 : i32
    %parallel_loop3A_29 = arith.constant 1 : i32
    scf.for %parallel_loop3A_75 = %parallel_loop3A_27 to %parallel_loop3A_28 step %parallel_loop3A_29  : i32 {
      %parallel_loop3A_76 = arith.constant 16 : i32
      %parallel_loop3A_77 = arith.muli %parallel_loop3A_75, %parallel_loop3A_76 : i32
      %parallel_loop3A_78 = arith.index_cast %parallel_loop3A_77 : i32 to index
      %parallel_loop3A_79 = tpu.vector_load %arg10[%parallel_loop3A_78] {strides = array<i32>} : memref<16416xi32, #tpu.memory_space<vmem>>, vector<16xi32>,
      %parallel_loop3A_80 = tpu.vector_load_idx %arg9[%parallel_loop3A_79] : memref<16384xi32, #tpu.memory_space<vmem>>[vector<16xi32>], vector<16xi32>,
      %parallel_loop3A_81 = arith.constant 16 : i32
      %parallel_loop3A_82 = vector.broadcast %parallel_loop3A_81 : i32 to vector<16xi32>
      %parallel_loop3A_83 = arith.muli %parallel_loop3A_80, %parallel_loop3A_82 : vector<16xi32>
      %parallel_loop3A_84 = arith.addi %parallel_loop3A_83, %iota3A : vector<16xi32>
      tpu.vector_store_idx %arg15[%parallel_loop3A_84], %broadcast_in_dim3A_15 {add = true} : memref<2048xi32, #tpu.memory_space<vmem>>[vector<16xi32>], vector<16xi32>,
      %parallel_loop3A_85 = vector.broadcast %parallel_loop3A_75 : i32 to vector<16xi32>
      %parallel_loop3A_86 = arith.addi %mul3A_12, %parallel_loop3A_85 : vector<16xi32>
      %parallel_loop3A_87 = tpu.vector_load_idx %arg9[%parallel_loop3A_86] : memref<16384xi32, #tpu.memory_space<vmem>>[vector<16xi32>], vector<16xi32>,
      %parallel_loop3A_88 = arith.index_cast %parallel_loop3A_77 : i32 to index
      %parallel_loop3A_89 = tpu.vector_load %arg11[%parallel_loop3A_88] {strides = array<i32>} : memref<16416xi32, #tpu.memory_space<vmem>>, vector<16xi32>,
      tpu.vector_store %arg11[%parallel_loop3A_88], %parallel_loop3A_87 {strides = array<i32>} : memref<16416xi32, #tpu.memory_space<vmem>>, vector<16xi32>,
      %parallel_loop3A_90 = arith.constant 16 : i32
      %parallel_loop3A_91 = vector.broadcast %parallel_loop3A_90 : i32 to vector<16xi32>
      %parallel_loop3A_92 = arith.muli %parallel_loop3A_87, %parallel_loop3A_91 : vector<16xi32>
      %parallel_loop3A_93 = arith.addi %parallel_loop3A_92, %iota3A : vector<16xi32>
      tpu.vector_store_idx %arg14[%parallel_loop3A_93], %broadcast_in_dim3A_15 {add = true} : memref<2048xi32, #tpu.memory_space<vmem>>[vector<16xi32>], vector<16xi32>,
    } {sc.loop_unroll_factor = 8 : i64, sc.parallel_access}
    %scan3A = arith.constant 0 : i32
    %scan3A_30 = arith.constant 0 : i32
    %scan3A_31 = arith.constant 128 : i32
    %scan3A_32 = arith.addi %scan3A_30, %scan3A_31 : i32
    %scan3A_33 = arith.constant 1 : i32
    %scan3A_34 = scf.for %scan3A_75 = %scan3A_30 to %scan3A_32 step %scan3A_33 iter_args(%scan3A_76 = %scan3A) -> (i32)  : i32 {
      %mul3A_77 = arith.constant 16 : i32
      %mul3A_78 = arith.muli %scan3A_75, %mul3A_77 : i32
      %get3A_79 = arith.index_cast %mul3A_78 : i32 to index
      %get3A_80 = tpu.vector_load %arg14[%get3A_79] {strides = array<i32>} : memref<2048xi32, #tpu.memory_space<vmem>>, vector<16xi32>,
      %get3A_81 = arith.index_cast %mul3A_78 : i32 to index
      %get3A_82 = tpu.vector_load %arg15[%get3A_81] {strides = array<i32>} : memref<2048xi32, #tpu.memory_space<vmem>>, vector<16xi32>,
      %broadcast_in_dim3A_83 = arith.constant true
      %broadcast_in_dim3A_84 = vector.broadcast %broadcast_in_dim3A_83 : i1 to vector<16xi1>
      %masked_cumsum3A = tpu.scan <sum>, %get3A_80 masked %broadcast_in_dim3A_84 : vector<16xi32>, vector<16xi1> -> vector<16xi32>
      %broadcast_in_dim3A_85 = arith.constant true
      %broadcast_in_dim3A_86 = vector.broadcast %broadcast_in_dim3A_85 : i1 to vector<16xi1>
      %masked_cumsum3A_87 = tpu.scan <sum>, %get3A_82 masked %broadcast_in_dim3A_86 : vector<16xi32>, vector<16xi1> -> vector<16xi32>
      %sub3A = arith.subi %masked_cumsum3A, %get3A_80 : vector<16xi32>
      %add3A_88 = vector.broadcast %scan3A_76 : i32 to vector<16xi32>
      %add3A_89 = arith.addi %sub3A, %add3A_88 : vector<16xi32>
      %swap3A_90 = arith.index_cast %mul3A_78 : i32 to index
      %swap3A_91 = tpu.vector_load %arg14[%swap3A_90] {strides = array<i32>} : memref<2048xi32, #tpu.memory_space<vmem>>, vector<16xi32>,
      tpu.vector_store %arg14[%swap3A_90], %add3A_89 {strides = array<i32>} : memref<2048xi32, #tpu.memory_space<vmem>>, vector<16xi32>,
      %sub3A_92 = arith.subi %masked_cumsum3A_87, %get3A_82 : vector<16xi32>
      %add3A_93 = vector.broadcast %scan3A_76 : i32 to vector<16xi32>
      %add3A_94 = arith.addi %sub3A_92, %add3A_93 : vector<16xi32>
      %swap3A_95 = arith.index_cast %mul3A_78 : i32 to index
      %swap3A_96 = tpu.vector_load %arg15[%swap3A_95] {strides = array<i32>} : memref<2048xi32, #tpu.memory_space<vmem>>, vector<16xi32>,
      tpu.vector_store %arg15[%swap3A_95], %add3A_94 {strides = array<i32>} : memref<2048xi32, #tpu.memory_space<vmem>>, vector<16xi32>,
      %reduce_sum3A = arith.constant true
      %reduce_sum3A_97 = vector.broadcast %reduce_sum3A : i1 to vector<16xi1>
      %reduce_sum3A_98 = tpu.scan <sum>, %get3A_80 masked %reduce_sum3A_97 : vector<16xi32>, vector<16xi1> -> vector<16xi32>
      %reduce_sum3A_99 = vector.extract %reduce_sum3A_98[15] : i32 from vector<16xi32>
      %add3A_100 = arith.addi %scan3A_76, %reduce_sum3A_99 : i32
      scf.yield %add3A_100 : i32
    }
    %scan3A_35 = arith.constant 128 : i32
    %swap3A = arith.constant 16384 : index
    %swap3A_36 = tpu.vector_load %arg11[%swap3A] {strides = array<i32>} : memref<16416xi32, #tpu.memory_space<vmem>>, vector<16xi32>,
    tpu.vector_store %arg11[%swap3A], %broadcast_in_dim3A_13 {strides = array<i32>} : memref<16416xi32, #tpu.memory_space<vmem>>, vector<16xi32>,
    %swap3A_37 = arith.constant 16400 : index
    %swap3A_38 = tpu.vector_load %arg11[%swap3A_37] {strides = array<i32>} : memref<16416xi32, #tpu.memory_space<vmem>>, vector<16xi32>,
    tpu.vector_store %arg11[%swap3A_37], %broadcast_in_dim3A_13 {strides = array<i32>} : memref<16416xi32, #tpu.memory_space<vmem>>, vector<16xi32>,
    %swap3A_39 = arith.constant 16384 : index
    %swap3A_40 = tpu.vector_load %arg10[%swap3A_39] {strides = array<i32>} : memref<16416xi32, #tpu.memory_space<vmem>>, vector<16xi32>,
    tpu.vector_store %arg10[%swap3A_39], %broadcast_in_dim3A_13 {strides = array<i32>} : memref<16416xi32, #tpu.memory_space<vmem>>, vector<16xi32>,
    %swap3A_41 = arith.constant 16400 : index
    %swap3A_42 = tpu.vector_load %arg10[%swap3A_41] {strides = array<i32>} : memref<16416xi32, #tpu.memory_space<vmem>>, vector<16xi32>,
    tpu.vector_store %arg10[%swap3A_41], %broadcast_in_dim3A_13 {strides = array<i32>} : memref<16416xi32, #tpu.memory_space<vmem>>, vector<16xi32>,
    %get3A = arith.constant 0 : index
    %get3A_43 = tpu.vector_load %arg11[%get3A] {strides = array<i32>} : memref<16416xi32, #tpu.memory_space<vmem>>, vector<16xi32>,
    %get3A_44 = arith.constant 0 : index
    %get3A_45 = tpu.vector_load %arg10[%get3A_44] {strides = array<i32>} : memref<16416xi32, #tpu.memory_space<vmem>>, vector<16xi32>,
    %gather3A = tpu.vector_load_idx %arg9[%get3A_45] : memref<16384xi32, #tpu.memory_space<vmem>>[vector<16xi32>], vector<16xi32>,
    %mul3A_46 = arith.constant 16 : i32
    %mul3A_47 = vector.broadcast %mul3A_46 : i32 to vector<16xi32>
    %mul3A_48 = arith.muli %get3A_43, %mul3A_47 : vector<16xi32>
    %add3A_49 = arith.addi %mul3A_48, %iota3A : vector<16xi32>
    %mul3A_50 = arith.constant 16 : i32
    %mul3A_51 = vector.broadcast %mul3A_50 : i32 to vector<16xi32>
    %mul3A_52 = arith.muli %gather3A, %mul3A_51 : vector<16xi32>
    %add3A_53 = arith.addi %mul3A_52, %iota3A : vector<16xi32>
    %get3A_54 = arith.constant 16 : index
    %get3A_55 = tpu.vector_load %arg11[%get3A_54] {strides = array<i32>} : memref<16416xi32, #tpu.memory_space<vmem>>, vector<16xi32>,
    %get3A_56 = arith.constant 16 : index
    %get3A_57 = tpu.vector_load %arg10[%get3A_56] {strides = array<i32>} : memref<16416xi32, #tpu.memory_space<vmem>>, vector<16xi32>,
    %scan3A_58 = arith.constant 0 : i32
    %scan3A_59 = arith.constant 1024 : i32
    %scan3A_60 = arith.addi %scan3A_58, %scan3A_59 : i32
    %scan3A_61 = arith.constant 1 : i32
    %scan3A_62:5 = scf.for %scan3A_75 = %scan3A_58 to %scan3A_60 step %scan3A_61 iter_args(%scan3A_76 = %add3A_49, %scan3A_77 = %get3A_45, %scan3A_78 = %add3A_53, %scan3A_79 = %get3A_55, %scan3A_80 = %get3A_57) -> (vector<16xi32>, vector<16xi32>, vector<16xi32>, vector<16xi32>, vector<16xi32>)  : i32 {
      %gather3A_81 = tpu.vector_load_idx %arg9[%scan3A_80] : memref<16384xi32, #tpu.memory_space<vmem>>[vector<16xi32>], vector<16xi32>,
      %gather3A_82 = tpu.vector_load_idx %arg14[%scan3A_76] : memref<2048xi32, #tpu.memory_space<vmem>>[vector<16xi32>], vector<16xi32>,
      %gather3A_83 = tpu.vector_load_idx %arg15[%scan3A_78] : memref<2048xi32, #tpu.memory_space<vmem>>[vector<16xi32>], vector<16xi32>,
      %add3A_84 = arith.constant 1 : i32
      %add3A_85 = vector.broadcast %add3A_84 : i32 to vector<16xi32>
      %add3A_86 = arith.addi %gather3A_82, %add3A_85 : vector<16xi32>
      tpu.vector_store_idx %arg14[%scan3A_76], %add3A_86 : memref<2048xi32, #tpu.memory_space<vmem>>[vector<16xi32>], vector<16xi32>,
      %add3A_87 = vector.broadcast %scan3A_75 : i32 to vector<16xi32>
      %add3A_88 = arith.addi %mul3A_12, %add3A_87 : vector<16xi32>
      tpu.vector_store_idx %arg12[%gather3A_82], %add3A_88 : memref<16384xi32, #tpu.memory_space<vmem>>[vector<16xi32>], vector<16xi32>,
      %add3A_89 = arith.constant 1 : i32
      %add3A_90 = vector.broadcast %add3A_89 : i32 to vector<16xi32>
      %add3A_91 = arith.addi %gather3A_83, %add3A_90 : vector<16xi32>
      tpu.vector_store_idx %arg15[%scan3A_78], %add3A_91 : memref<2048xi32, #tpu.memory_space<vmem>>[vector<16xi32>], vector<16xi32>,
      tpu.vector_store_idx %arg13[%gather3A_83], %scan3A_77 : memref<16384xi32, #tpu.memory_space<vmem>>[vector<16xi32>], vector<16xi32>,
      %add3A_92 = arith.constant 2 : i32
      %add3A_93 = arith.addi %scan3A_75, %add3A_92 : i32
      %mul3A_94 = arith.constant 16 : i32
      %mul3A_95 = arith.muli %add3A_93, %mul3A_94 : i32
      %mul3A_96 = arith.constant 16 : i32
      %mul3A_97 = vector.broadcast %mul3A_96 : i32 to vector<16xi32>
      %mul3A_98 = arith.muli %scan3A_79, %mul3A_97 : vector<16xi32>
      %add3A_99 = arith.addi %mul3A_98, %iota3A : vector<16xi32>
      %mul3A_100 = arith.constant 16 : i32
      %mul3A_101 = vector.broadcast %mul3A_100 : i32 to vector<16xi32>
      %mul3A_102 = arith.muli %gather3A_81, %mul3A_101 : vector<16xi32>
      %add3A_103 = arith.addi %mul3A_102, %iota3A : vector<16xi32>
      %get3A_104 = arith.index_cast %mul3A_95 : i32 to index
      %get3A_105 = tpu.vector_load %arg11[%get3A_104] {strides = array<i32>} : memref<16416xi32, #tpu.memory_space<vmem>>, vector<16xi32>,
      %get3A_106 = arith.index_cast %mul3A_95 : i32 to index
      %get3A_107 = tpu.vector_load %arg10[%get3A_106] {strides = array<i32>} : memref<16416xi32, #tpu.memory_space<vmem>>, vector<16xi32>,
      scf.yield %add3A_99, %scan3A_80, %add3A_103, %get3A_105, %get3A_107 : vector<16xi32>, vector<16xi32>, vector<16xi32>, vector<16xi32>, vector<16xi32>
    }
    %scan3A_63 = arith.constant 1024 : i32
    tpu.wait_dma2 semaphore(%arg17 : memref<!tpu.dma_semaphore, #tpu.memory_space<semaphore_mem>>) src(%arg2 : memref<16384xf32, #tpu.memory_space<hbm>>) dst(%arg7 : memref<16384xf32, #tpu.memory_space<vmem>>)
    tpu.wait_dma2 semaphore(%arg17 : memref<!tpu.dma_semaphore, #tpu.memory_space<semaphore_mem>>) src(%arg3 : memref<16384xf32, #tpu.memory_space<hbm>>) dst(%arg8 : memref<16384xf32, #tpu.memory_space<vmem>>)
    %broadcast_in_dim3A_64 = arith.constant 0.000000e+00 : f32
    %broadcast_in_dim3A_65 = vector.broadcast %broadcast_in_dim3A_64 : f32 to vector<16xf32>
    %parallel_loop3A_66 = arith.constant 0 : i32
    %parallel_loop3A_67 = arith.constant 1024 : i32
    %parallel_loop3A_68 = arith.constant 1 : i32
    %parallel_loop3A_69 = scf.for %parallel_loop3A_75 = %parallel_loop3A_66 to %parallel_loop3A_67 step %parallel_loop3A_68 iter_args(%parallel_loop3A_76 = %broadcast_in_dim3A_65) -> (vector<16xf32>)  : i32 {
      %parallel_loop3A_77 = arith.constant 16 : i32
      %parallel_loop3A_78 = arith.muli %parallel_loop3A_75, %parallel_loop3A_77 : i32
      %parallel_loop3A_79 = arith.index_cast %parallel_loop3A_78 : i32 to index
      %parallel_loop3A_80 = tpu.vector_load %arg12[%parallel_loop3A_79] {strides = array<i32>} : memref<16384xi32, #tpu.memory_space<vmem>>, vector<16xi32>,
      %parallel_loop3A_81 = arith.index_cast %parallel_loop3A_78 : i32 to index
      %parallel_loop3A_82 = tpu.vector_load %arg13[%parallel_loop3A_81] {strides = array<i32>} : memref<16384xi32, #tpu.memory_space<vmem>>, vector<16xi32>,
      %parallel_loop3A_83 = tpu.vector_load_idx %arg7[%parallel_loop3A_80] : memref<16384xf32, #tpu.memory_space<vmem>>[vector<16xi32>], vector<16xf32>,
      %parallel_loop3A_84 = tpu.vector_load_idx %arg7[%parallel_loop3A_82] : memref<16384xf32, #tpu.memory_space<vmem>>[vector<16xi32>], vector<16xf32>,
      %parallel_loop3A_85 = tpu.vector_load_idx %arg8[%parallel_loop3A_80] : memref<16384xf32, #tpu.memory_space<vmem>>[vector<16xi32>], vector<16xf32>,
      %parallel_loop3A_86 = tpu.vector_load_idx %arg8[%parallel_loop3A_82] : memref<16384xf32, #tpu.memory_space<vmem>>[vector<16xi32>], vector<16xf32>,
      %parallel_loop3A_87 = arith.subf %parallel_loop3A_83, %parallel_loop3A_84 : vector<16xf32>
      %parallel_loop3A_88 = arith.cmpf ogt, %parallel_loop3A_85, %parallel_loop3A_86 : vector<16xf32>
      %parallel_loop3A_89 = arith.constant 0.000000e+00 : f32
      %parallel_loop3A_90 = vector.broadcast %parallel_loop3A_89 : f32 to vector<16xf32>
      %parallel_loop3A_91 = arith.subf %parallel_loop3A_90, %parallel_loop3A_87 : vector<16xf32>
      %parallel_loop3A_92 = arith.select %parallel_loop3A_88, %parallel_loop3A_91, %parallel_loop3A_87 : vector<16xi1>, vector<16xf32>
      %parallel_loop3A_93 = arith.constant 0.000000e+00 : f32
      %parallel_loop3A_94 = vector.broadcast %parallel_loop3A_93 : f32 to vector<16xf32>
      %parallel_loop3A_95 = arith.maximumf %parallel_loop3A_92, %parallel_loop3A_94 : vector<16xf32>
      %parallel_loop3A_96 = arith.addf %parallel_loop3A_76, %parallel_loop3A_95 : vector<16xf32>
      scf.yield %parallel_loop3A_96 : vector<16xf32>
    } {sc.loop_unroll_factor = 8 : i64, sc.parallel_access}
    %mul3A_70 = arith.constant 1.90734863E-6 : f32
    %mul3A_71 = vector.broadcast %mul3A_70 : f32 to vector<16xf32>
    %mul3A_72 = arith.mulf %parallel_loop3A_69, %mul3A_71 : vector<16xf32>
    %swap3A_73 = arith.constant 0 : index
    %swap3A_74 = tpu.vector_load %arg16[%swap3A_73] {strides = array<i32>} : memref<16xf32, #tpu.memory_space<vmem>>, vector<16xf32>,
    tpu.vector_store %arg16[%swap3A_73], %mul3A_72 {strides = array<i32>} : memref<16xf32, #tpu.memory_space<vmem>>, vector<16xf32>,
    "tpu.region"() ({
      %run_scoped3A = tpu.sem_alloc : memref<!tpu.dma_semaphore, #tpu.memory_space<semaphore_mem>>
      %dma_start3A_75 = arith.constant 0 : i32
      %dma_start3A_76 = tpu.memref_slice %arg6[%add3A, %dma_start3A_75] : memref<32x16xf32, #tpu.memory_space<hbm>> -> memref<1x16xf32, #tpu.memory_space<hbm>>
      %dma_start3A_77 = tpu.memref_squeeze %dma_start3A_76 : memref<1x16xf32, #tpu.memory_space<hbm>> -> memref<16xf32, #tpu.memory_space<hbm>>
      %dma_start3A_78 = arith.constant 0 : i32
      %dma_start3A_79 = tpu.memref_slice %arg6[%add3A, %dma_start3A_78] : memref<32x16xf32, #tpu.memory_space<hbm>> -> memref<1x16xf32, #tpu.memory_space<hbm>>
      %dma_start3A_80 = tpu.memref_squeeze %dma_start3A_79 : memref<1x16xf32, #tpu.memory_space<hbm>> -> memref<16xf32, #tpu.memory_space<hbm>>
      tpu.enqueue_dma source(%arg16 : memref<16xf32, #tpu.memory_space<vmem>>) target(%dma_start3A_80 : memref<16xf32, #tpu.memory_space<hbm>>) target_semaphore(%run_scoped3A : memref<!tpu.dma_semaphore, #tpu.memory_space<semaphore_mem>>)
      %dma_wait3A_81 = arith.constant 0 : i32
      %dma_wait3A_82 = tpu.memref_slice %arg6[%add3A, %dma_wait3A_81] : memref<32x16xf32, #tpu.memory_space<hbm>> -> memref<1x16xf32, #tpu.memory_space<hbm>>
      %dma_wait3A_83 = tpu.memref_squeeze %dma_wait3A_82 : memref<1x16xf32, #tpu.memory_space<hbm>> -> memref<16xf32, #tpu.memory_space<hbm>>
      %dma_wait3A_84 = arith.constant 0 : i32
      %dma_wait3A_85 = tpu.memref_slice %arg6[%add3A, %dma_wait3A_84] : memref<32x16xf32, #tpu.memory_space<hbm>> -> memref<1x16xf32, #tpu.memory_space<hbm>>
      %dma_wait3A_86 = tpu.memref_squeeze %dma_wait3A_85 : memref<1x16xf32, #tpu.memory_space<hbm>> -> memref<16xf32, #tpu.memory_space<hbm>>
      tpu.wait_dma2 semaphore(%run_scoped3A : memref<!tpu.dma_semaphore, #tpu.memory_space<semaphore_mem>>) src(%arg16 : memref<16xf32, #tpu.memory_space<vmem>>) dst(%dma_wait3A_86 : memref<16xf32, #tpu.memory_space<hbm>>)
      tpu.yield
    }) : () -> ()
    return
  }
}

</mosaic_0001>

<sc_bundles>
// kernel: kernel.3.cloned.1.call-start
scs
__scs_entry_jumppad:
0x0: {  	(pc) =	sbr.rel $0x88, $3  }
0x1: {  	(tag) =	ssettag $0x0;
	lr =	simm.s32 $0x1  }
0x2: {  	[smem:$0x3F9E] =	sst lr;
	_ =	strace $0xD0000000  }
0x3: {  	_ = 	snop  }
0x4: {  	_ = 	snop  }
0x5: {  	_ = 	snop  }
0x6: {  	_ = 	snop  }
0x7: {  	_ = 	snop  }
__scs_overlays_trampoline_lowered:
0x8: {  	[smem:$0x3FAD] =	sst s0  }
0x9: {  	[smem:$0x3FAE] =	sst s1  }
0xa: {  	[smem:$0x3FAF] =	sst s2  }
0xb: {  	[smem:$0x3FB0] =	sst s3  }
0xc: {  	[smem:$0x3FB1] =	sst s4  }
0xd: {  	[smem:$0x3FB2] =	sst s5  }
0xe: {  	[smem:$0x3FB3] =	sst s6  }
0xf: {  	[smem:$0x3FB4] =	sst s7  }
0x10: {  	[smem:$0x3FB5] =	sst s8  }
0x11: {  	[smem:$0x3FB6] =	sst s9;
	s0 =	simm.s32 @!p0 $0x0  }
0x12: {  	s1 =	sld [smem:$0x3F9C];
	s0 =	simm.s32 @p0 $0x1  }
0x13: {  	[smem:$0x3FB7] =	sst s0;
	s0 =	simm.s32 @!p1 $0x0  }
0x14: {  	s2 =	sld [smem:$0x3F9B];
	s0 =	simm.s32 @p1 $0x1  }
0x15: {  	[smem:$0x3FB8] =	sst s0;
	s0 =	simm.s32 @!p2 $0x0  }
0x16: {  	s3 =	sld [smem:$0x3FDB];
	s0 =	simm.s32 @p2 $0x1  }
0x17: {  	s4 =	simm.s32 $0x1BF5;
	[smem:$0x3FBA] =	sst s0  }
0x18: {  	s0 =	sld [smem:$0x3F9D];
	_ =	swait.ge [sflag:s4], $0x0  }
0x19: {  	s7 =	sld [smem:$0x3F9E]  }
0x1a: {  	s8 =	sadd.s32 $0xFFFFE003, lr  }
0x1b: {  	s9 =	sadd.s32 $0xFFFFFEF7, lr;
	s5 =	simm.s32 $0xFFFFFFFF;
	p2 =	slt.u32 s8, $0xFFFFF086  }
0x1c: {  	p1 =	slt.u32 s9, $0xF7A;
	s5 =	simm.s32 @!p2 $0x0  }
0x1d: {  	s5 =	simm.s32 @p1 $0x1;
	p0 =	seq.s32 s7, s2  }
0x1e: {  	s7 =	smul.u32 @!p0 $0xF7A, s2;
	p2 =	seq.s32 @!p0 s5, $0x0  }
0x1f: {  	s9 =	smul.u32 $0xF7A, s1;
	s8 =	simm.s32 @!p0 $0x1BF5;
	p2 =	por !p2, p0  }
0x20: {  	[sflag:s8] =	ssyncset.s32 @!p0 $0xFFFFF086;
	s6 =	sadd.s32 @!p0 s3, s7;
	s7 =	simm.s32 @!p0 $0x108  }
0x21: {  	s3 =	sadd.s32 s3, s9;
	s6 =	sadd.s32 @!p0 $0x88, s6;
	s7 =	simm.s32 @p2 $0x1082  }
0x22: {  	[simem:s7], [sflag:s8] =	dma.local @!p0 [hbm:s6], $0xF7A  }
0x23: {  	s9 =	sor.u32 $0xD0000000, s2;
	s6 =	simm.s32 $0x108;
	_ =	swait.ge @!p0 [sflag:s8], $0x0  }
0x24: {  	s3 =	sadd.s32 $0x88, s3;
	s6 =	simm.s32 @!p1 $0x1082;
	[sflag:s4] =	ssyncset.s32 $0xFFFFF086  }
0x25: {  	[simem:s6], [sflag:s4] =	dma.local [hbm:s3], $0xF7A  }
0x26: {  	[smem:$0x3F9E] =	sst s1;
	(tag) =	ssettag s2;
	_ =	strace s9  }
0x27: {  	s1 =	sld [smem:$0x3FAE]  }
0x28: {  	s2 =	sld [smem:$0x3FAF]  }
0x29: {  	s4 =	sld [smem:$0x3FB1]  }
0x2a: {  	p0 =	seq.s32 s5, $0x0;
	s5 =	sld [smem:$0x3FB2]  }
0x2b: {  	s6 =	sld [smem:$0x3FB3]  }
0x2c: {  	s7 =	sld [smem:$0x3FB4]  }
0x2d: {  	s3 =	simm.s32 $0x108;
	s8 =	sld [smem:$0x3FB5]  }
0x2e: {  	s3 =	simm.s32 @!p0 $0x1082;
	s9 =	sld [smem:$0x3FB6]  }
0x2f: {  	lr =	sadd.s32 s0, s3;
	s0 =	sld [smem:$0x3FAD]  }
0x30: {  	s3 =	sld [smem:$0x3FB0]  }
0x31: {  	[smem:$0x3FB9] =	sst s10  }
0x32: {  	s10 =	sld [smem:$0x3FB7];
	_ =	sdelay $0x3  }
0x33: {  	p0 =	seq.s32 s10, $0x1;
	s10 =	sld [smem:$0x3FB9];
	_ =	sdelay $0x3  }
0x34: {  	[smem:$0x3FB9] =	sst s10  }
0x35: {  	s10 =	sld [smem:$0x3FB8];
	_ =	sdelay $0x3  }
0x36: {  	p1 =	seq.s32 s10, $0x1;
	s10 =	sld [smem:$0x3FB9];
	_ =	sdelay $0x3  }
0x37: {  	[smem:$0x3FB9] =	sst s10  }
0x38: {  	s10 =	sld [smem:$0x3FBA]  }
0x39: {  	_ = 	snop;
	(pc) =	sbr.ind lr, $3  }
0x3a: {  	_ = 	snop  }
0x3b: {  	_ = 	snop  }
0x3c: {  	p2 =	seq.s32 s10, $0x1;
	s10 =	sld [smem:$0x3FB9]  }
0x3d: {  	_ =	shalt  }
0x3e: {  	_ =	shalt  }
0x3f: {  	_ =	shalt  }
0x40: {  	_ =	shalt  }
0x41: {  	_ =	shalt  }
0x42: {  	_ =	shalt  }
0x43: {  	_ =	shalt  }
0x44: {  	_ =	shalt  }
0x45: {  	_ =	shalt  }
0x46: {  	_ =	shalt  }
0x47: {  	_ =	shalt  }
0x48: {  	_ =	shalt  }
0x49: {  	_ =	shalt  }
0x4a: {  	_ =	shalt  }
0x4b: {  	_ =	shalt  }
0x4c: {  	_ =	shalt  }
0x4d: {  	_ =	shalt  }
0x4e: {  	_ =	shalt  }
0x4f: {  	_ =	shalt  }
0x50: {  	_ =	shalt  }
0x51: {  	_ =	shalt  }
0x52: {  	_ =	shalt  }
0x53: {  	_ =	shalt  }
0x54: {  	_ =	shalt  }
0x55: {  	_ =	shalt  }
0x56: {  	_ =	shalt  }
0x57: {  	_ =	shalt  }
0x58: {  	_ =	shalt  }
0x59: {  	_ =	shalt  }
0x5a: {  	_ =	shalt  }
0x5b: {  	_ =	shalt  }
0x5c: {  	_ =	shalt  }
0x5d: {  	_ =	shalt  }
0x5e: {  	_ =	shalt  }
0x5f: {  	_ =	shalt  }
0x60: {  	_ =	shalt  }
0x61: {  	_ =	shalt  }
0x62: {  	_ =	shalt  }
0x63: {  	_ =	shalt  }
0x64: {  	_ =	shalt  }
0x65: {  	_ =	shalt  }
0x66: {  	_ =	shalt  }
0x67: {  	_ =	shalt  }
0x68: {  	_ =	shalt  }
0x69: {  	_ =	shalt  }
0x6a: {  	_ =	shalt  }
0x6b: {  	_ =	shalt  }
0x6c: {  	_ =	shalt  }
0x6d: {  	_ =	shalt  }
0x6e: {  	_ =	shalt  }
0x6f: {  	_ =	shalt  }
0x70: {  	_ =	shalt  }
0x71: {  	_ =	shalt  }
0x72: {  	_ =	shalt  }
0x73: {  	_ =	shalt  }
0x74: {  	_ =	shalt  }
0x75: {  	_ =	shalt  }
0x76: {  	_ =	shalt  }
0x77: {  	_ =	shalt  }
0x78: {  	_ =	shalt  }
0x79: {  	_ =	shalt  }
0x7a: {  	_ =	shalt  }
0x7b: {  	_ =	shalt  }
0x7c: {  	_ =	shalt  }
0x7d: {  	_ =	shalt  }
0x7e: {  	_ =	shalt  }
0x7f: {  	_ =	shalt  }
0x80: {  	_ =	shalt  }
0x81: {  	_ =	shalt  }
0x82: {  	_ =	shalt  }
0x83: {  	_ =	shalt  }
0x84: {  	_ =	shalt  }
0x85: {  	_ =	shalt  }
0x86: {  	_ =	shalt  }
0x87: {  	_ =	shalt  }
.Lfunc_end0:
.L_simem_size_0:
called_computation_lowered:
.L_overlay_start_0:
0x88: {  	s2 =	sld [smem:$0x3FD9]  }
0x89: {  	s3 =	sld [smem:$0x3FFE];
	_ =	sdelay $0x1  }
0x8a: {  	s1 =	srdreg.scid  }
0x8b: {  	s0 =	sand.u32 $0x1, s1  }
0x8c: {  	s17 =	sshll.u32 s0, $0xA;
	s2 =	sadd.s32 s3, s2  }
0x8d: {  	s2 =	sadd.s32 s2, s17  }
0x8e: {  	[smem:$0x3FC5] =	sst s2  }
0x8f: {  	_ = 	snop  }
0x90: {  	s2 =	sld [smem:$0x3FC9]  }
0x91: {  	s18 =	sld [smem:$0x3FC8]  }
0x92: {  	s4 =	sld [smem:$0x3FC7];
	(tm) =	ssettm $0x1  }
0x93: {  	s5 =	sld [smem:$0x3FFB];
	_ =	sdelay $0x3  }
0x94: {  	_ =	strace s5  }
0x95: {  	s5 =	sld [smem:$0x3FFC];
	_ =	sdelay $0x3  }
0x96: {  	_ =	strace s5  }
0x97: {  	s5 =	sld [smem:$0x3FFD];
	_ =	sdelay $0x3  }
0x98: {  	_ =	strace s5  }
0x99: {  	_ =	strace $0x8FFFFFFF  }
0x9a: {  	s19 =	sld [smem:$0x3FDB];
	_ =	sdelay $0x1  }
0x9b: {  	s6 =	simm.s32 $_scs_section_size  }
0x9c: {  	s7 =	simm.s32 $_size__tile_overlayer_lowered;
	s8 =	simm.s32 $_tile_overlayer_lowered  }
0x9d: {  	s22 =	simm.s32 $0x1BFF;
	s21 =	sshll.u32 s8, $0x1;
	s5 =	sadd.s32 s6, s19  }
0x9e: {  	s9 =	simm.s32 $0x0;
	s20 =	sshll.u32 s7, $0x1;
	s7 =	sadd.s32 s21, s5  }
0x9f: {  	[timem:s9], [sflag:s22] =	dma.local [hbm:s7], s20  }
0xa0: {  	_ =	swait.ge [sflag:s22], s20  }
0xa1: {  	s6 =	ssub.s32 $0x0, s20;
	[sflag:s22] =	ssyncset.done $0x0  }
0xa2: {  	[sflag:s22] =	ssyncadd.s32 s6;
	_ =	sdelay $0x1  }
0xa3: {  	s23 =	simm.s32 $0x1B8B  }
0xa4: {  	_ =	swait.ge [sflag:s23], $0x1  }
0xa5: {  	[sflag:s23] =	ssyncset.done $0x0  }
0xa6: {  	s25 =	simm.s32 $0x1B8E;
	s24 =	sld [smem:$0x3FFE];
	[sflag:s23] =	ssyncadd.s32 $0xFFFFFFFF  }
0xa7: {  	s26 =	simm.s32 $execute0_lowered;
	[smem:$0x3FD2] =	sst s25  }
0xa8: {  	s7 =	sshll.u32 s26, $0x1;
	_ =	strace $0x80000046;
	[dreg:$0x1] =	wrdreg $0xFFFFFFFF  }
0xa9: {  	s28 =	simm.s32 $_size_execute0_lowered;
	s5 =	sadd.s32 s5, s7;
	[dreg:$0x0] =	wrdreg $0x0  }
0xaa: {  	s7 =	sshll.u32 s28, $0x1;
	[dreg:$0x2] =	wrdreg s5  }
0xab: {  	[dreg:$0x3] =	wrdreg s7  }
0xac: {  	[dreg:$0x4] =	wrdreg $0xC0  }
0xad: {  	_ =	task [dreg:s9], $0x5FFFF  }
0xae: {  	[dreg:$0x1] =	wrdreg $0xFFFFFFFF  }
0xaf: {  	[dreg:$0x0] =	wrdreg $0x60  }
0xb0: {  	[dreg:$0x2] =	wrdreg s2  }
0xb1: {  	[dreg:$0x3] =	wrdreg s18  }
0xb2: {  	[dreg:$0x4] =	wrdreg s4  }
0xb3: {  	[dreg:$0x5] =	wrdreg s24  }
0xb4: {  	[dreg:$0x6] =	wrdreg $0x9  }
0xb5: {  	_ =	task.clear_ibuf [dreg:s9], $0x7FFFF;
	_ =	strace $0x90000046  }
0xb6: {  	s29 =	simm.s32 $0x9;
	_ =	strace $0x80000048  }
0xb7: {  	_ =	swait.ge [sflag:s29], $0x1  }
0xb8: {  	[sflag:s29] =	ssyncadd.s32 $0xFFFFFFFF  }
0xb9: {  	_ =	strace $0x90000048  }
0xba: {  	_ =	sfence  }
0xbb: {  	s30 =	sld [smem:$0x0];
	_ =	sdelay $0x2  }
0xbc: {  	s31 =	sshll.u32 s1, $0xD;
	s1 =	sshrl.u32 s1, $0x2  }
0xbd: {  	s3 =	sand.u32 $0x4000, s31;
	s1 =	sadd.s32 s1, s30  }
0xbe: {  	s0 =	sor.u32 s3, s0;
	s1 =	sshll.u32 s1, $0x11  }
0xbf: {  	s0 =	sor.u32 s1, s0  }
0xc0: {  	s0 =	sadd.s32 $0x8F2B, s0  }
0xc1: {  	[sflag:s0] =	ssyncadd.remote.s32 $0x1  }
0xc2: {  	_ =	sfence.sel $0xFFFF  }
0xc3: {  	[dreg:$0x0] =	wrdreg $0xFFFFFFFF;
	(pc) =	sbr.abs _section_cstart, $3  }
0xc4: {  	[dreg:$0x1] =	wrdreg $0xFFFFFFFF  }
0xc5: {  	_ =	task.clear_ibuf [dreg:s9], $0x2FFFF;
	_ =	strace $0x9FFFFFFF  }
0xc6: {  	(tm) =	ssettm $0x7FFFFFFF  }
0xc7: {  	_ =	shalt  }
tec
execute0_lowered:
.L_overlay_start_1:
0x0: {  	(tag) =	ssettag $0x1  }
0x1: {  	s1 =	rddreg [dreg:$0x0]  }
0x2: {  	s2 =	rddreg [dreg:$0x1]  }
0x3: {  	s3 =	rddreg [dreg:$0x2]  }
0x4: {  	s6 =	rddreg [dreg:$0x3]  }
0x5: {  	s4 =	srdreg.scid;
	s0 =	rddreg [dreg:$0x4]  }
0x6: {  	s5 =	simm.s32 $0x0;
	s11 =	simm.s32 $0x400;
	s12 =	simm.s32 $0xC000  }
0x7: {  	s13 =	simm.s32 $0x4000;
	s14 =	simm.s32 $0x1;
	s15 =	simm.s32 $0x1C900  }
0x8: {  	s16 =	simm.s32 $0x1C100;
	s17 =	simm.s32 $0x14100;
	s18 =	simm.s32 $0x18100  }
0x9: {  	s19 =	simm.s32 $0x1D100;
	s20 =	simm.s32 $0x2;
	s7 =	sand.u32 $0x1, s4  }
0xa: {  	s4 =	stileid.u32;
	[smem:$0x7FF] =	sst s5;
	s8 =	sshll.u32 s7, $0x4  }
0xb: {  	s21 =	simm.s32 $0x0;
	_ =	strace $0x80000047;
	s8 =	sor.u32 s4, s8  }
0xc: {  	s9 =	sshll.u32 s4, $0x7;
	s7 =	ssub.s32 $0x2, s7;
	s8 =	sshrl.u32 s8, $0x3  }
0xd: {  	s9 =	sand.u32 $0x380, s9;
	s10 =	sshll.u32 s8, $0xA;
	s8 =	sshll.u32 s8, $0x11  }
0xe: {  	s31 =	sshrl.u32 s7, $0x1;
	s10 =	sor.u32 s9, s10;
	s8 =	sor.u32 s9, s8  }
0xf: {  	s30 =	sshrl.u32 s10, $0x3;
	s8 =	sshrl.u32 s8, $0x3;
	s10 =	ssub.s32 s7, s31  }
0x10: {  	v0 =	vlaneseq.u32;
	s9 =	sadd.s32 s30, s6;
	s6 =	sadd.s32 s6, s8;
	s8 =	smax.u32 s10, $0x1  }
0x11: {  	v1 =	vimm.s32 $0x0;
	v2 =	vimm.s32 $0x1;
	v3 =	vmul.u32 $0x400, v0;
	s10 =	simm.s32 $0x80;
	s7 =	sadd.s32 $0x10000, s9;
	s9 =	simm.s32 $0x8000  }
.LBB2_1:
0x12: {  	[tilespmem:s9], [sflag:$0x1] =	stream.linear.gather [hbm4b:s3+s5], $0x4000, $0x38;
	[tilespmem:$0x1D180] =	vst v63  }
0x13: {  	_ = 	snop  }
0x14: {  	[tilespmem:s12], [sflag:$0x1] =	stream.strided.gather [hbm4b:s6+s10], $0x4000, s11, s10, $0x38;
	[tilespmem:$0x1D180] =	vst v63  }
0x15: {  	_ = 	snop  }
0x16: {  	[tilespmem:s5], [sflag:$0x1] =	stream.linear.gather [hbm4b:s1+s5], $0x4000, $0x38;
	[tilespmem:$0x1D180] =	vst v63  }
0x17: {  	s23 =	simm.s32 $0x1C120  }
0x18: {  	[tilespmem:s13], [sflag:$0x1] =	stream.linear.gather [hbm4b:s2+s5], $0x4000, $0x38;
	[tilespmem:$0x1D180] =	vst v63  }
0x19: {  	[tilespmem:s23+$0xFFFFFFF0] =	vst v1  }
0x1a: {  	[tilespmem:s23+$0x0] =	vst v1  }
0x1b: {  	[tilespmem:s23+$0x10] =	vst v1  }
0x1c: {  	s22 =	simm.s32 $0x1C920;
	[tilespmem:s23+$0xFFFFFFE0] =	vst v1  }
0x1d: {  	[tilespmem:s22+$0xFFFFFFF0] =	vst v1  }
0x1e: {  	[tilespmem:s22+$0x0] =	vst v1  }
0x1f: {  	[tilespmem:s22+$0x10] =	vst v1  }
0x20: {  	s24 =	simm.s32 $0x1C160;
	s23 =	simm.s32 $0x0;
	[tilespmem:s22+$0xFFFFFFE0] =	vst v1  }
.LBB2_2:
0x21: {  	[tilespmem:s24+$0xFFFFFFF0] =	vst v1;
	s22 =	sadd.s32 $0x40, s22  }
0x22: {  	s23 =	sadd.s32 $0x4, s23;
	[tilespmem:s22+$0xFFFFFFF0] =	vst v1  }
0x23: {  	p0 =	slt.u32 s23, $0x7C;
	[tilespmem:s24+$0x0] =	vst v1  }
.Ltmp0:
0x24: {  	[tilespmem:s22+$0x0] =	vst v1;
	(pc) =	sbr.rel @p0 .LBB2_2-.Ltmp0, $4  }
0x25: {  	[tilespmem:s24+$0x10] =	vst v1  }
0x26: {  	[tilespmem:s22+$0x10] =	vst v1  }
0x27: {  	[tilespmem:s24+$0xFFFFFFE0] =	vst v1  }
0x28: {  	s24 =	sadd.s32 $0x40, s24;
	[tilespmem:s22+$0xFFFFFFE0] =	vst v1  }
0x29: {  	_ =	swait.ge [sflag:s14], $0x4000  }
0x2a: {  	[sflag:s14] =	ssyncset.done $0x0  }
0x2b: {  	[sflag:s14] =	ssyncadd.s32 $0xFFFFC000  }
0x2c: {  	_ =	swait.ge [sflag:s14], $0x4000  }
0x2d: {  	[sflag:s14] =	ssyncset.done $0x0  }
0x2e: {  	s22 =	simm.s32 $0xC040;
	[sflag:s14] =	ssyncadd.s32 $0xFFFFC000  }
0x2f: {  	v4 =	vld [tilespmem:s22+$0x30]  }
0x30: {  	v5 =	vld [tilespmem:s22+$0xFFFFFFD0]  }
0x31: {  	v6 =	vld [tilespmem:s22+$0xFFFFFFE0]  }
0x32: {  	v7 =	vld [tilespmem:s22+$0xFFFFFFF0]  }
0x33: {  	v8 =	vld [tilespmem:s22+$0x0]  }
0x34: {  	v9 =	vld [tilespmem:s22+$0x10]  }
0x35: {  	v10 =	vld [tilespmem:s22+$0x20]  }
0x36: {  	v11 =	vld [tilespmem:s22+$0xFFFFFFC0]  }
0x37: {  	v4 =	vld.idx.msk [tilespmem:v4+s9+$0x0], $0xffff  }
0x38: {  	v5 =	vld.idx.msk [tilespmem:v5+s9+$0x0], $0xffff  }
0x39: {  	v6 =	vld.idx.msk [tilespmem:v6+s9+$0x0], $0xffff  }
0x3a: {  	v7 =	vld.idx.msk [tilespmem:v7+s9+$0x0], $0xffff  }
0x3b: {  	v8 =	vld.idx.msk [tilespmem:v8+s9+$0x0], $0xffff  }
0x3c: {  	v4 =	vshll.u32 v4, $0x4  }
0x3d: {  	v9 =	vld.idx.msk [tilespmem:v9+s9+$0x0], $0xffff;
	v5 =	vshll.u32 v5, $0x4;
	v4 =	vor.u32 v0, v4  }
0x3e: {  	v10 =	vld.idx.msk [tilespmem:v10+s9+$0x0], $0xffff;
	v6 =	vshll.u32 v6, $0x4;
	v5 =	vor.u32 v0, v5  }
0x3f: {  	v7 =	vshll.u32 v7, $0x4;
	v6 =	vor.u32 v0, v6  }
0x40: {  	v11 =	vld.idx.msk [tilespmem:v11+s9+$0x0], $0xffff;
	v8 =	vshll.u32 v8, $0x4;
	v7 =	vor.u32 v0, v7  }
0x41: {  	s25 =	simm.s32 $0x7;
	v8 =	vor.u32 v0, v8  }
0x42: {  	v12 =	vor.u32 s25, v3;
	v9 =	vshll.u32 v9, $0x4;
	[tilespmem:v4+s15+$0x0] =	vst.idx.add.s32.msk $0xffff, v2  }
0x43: {  	v10 =	vshll.u32 v10, $0x4;
	v4 =	vor.u32 v0, v9;
	[tilespmem:v5+s15+$0x0] =	vst.idx.add.s32.msk $0xffff, v2  }
0x44: {  	s23 =	simm.s32 $0x1;
	v5 =	vor.u32 v0, v10;
	[tilespmem:v6+s15+$0x0] =	vst.idx.add.s32.msk $0xffff, v2  }
0x45: {  	v9 =	vshll.u32 v11, $0x4;
	[tilespmem:v7+s15+$0x0] =	vst.idx.add.s32.msk $0xffff, v2;
	v7 =	vor.u32 s23, v3  }
0x46: {  	s22 =	simm.s32 $0x0;
	[tilespmem:v8+s15+$0x0] =	vst.idx.add.s32.msk $0xffff, v2;
	v9 =	vor.u32 v0, v9  }
0x47: {  	s26 =	simm.s32 $0x2;
	v6 =	vor.u32 s22, v3;
	v11 =	vld.idx.msk [tilespmem:v12+s9+$0x0], $0xffff  }
0x48: {  	v8 =	vor.u32 s26, v3;
	[tilespmem:v4+s15+$0x0] =	vst.idx.add.s32.msk $0xffff, v2  }
0x49: {  	s28 =	simm.s32 $0x3;
	[tilespmem:v5+s15+$0x0] =	vst.idx.add.s32.msk $0xffff, v2  }
0x4a: {  	s29 =	simm.s32 $0x4;
	v4 =	vor.u32 s28, v3;
	v13 =	vld.idx.msk [tilespmem:v7+s9+$0x0], $0xffff  }
0x4b: {  	s30 =	simm.s32 $0x5;
	v5 =	vor.u32 s29, v3;
	[tilespmem:v9+s15+$0x0] =	vst.idx.add.s32.msk $0xffff, v2  }
0x4c: {  	s31 =	simm.s32 $0x6;
	v7 =	vor.u32 s30, v3;
	v10 =	vld.idx.msk [tilespmem:v6+s9+$0x0], $0xffff  }
0x4d: {  	v14 =	vld.idx.msk [tilespmem:v8+s9+$0x0], $0xffff;
	v8 =	vor.u32 s31, v3;
	v9 =	vshll.u32 v11, $0x4  }
0x4e: {  	v9 =	vor.u32 v0, v9  }
0x4f: {  	v12 =	vld.idx.msk [tilespmem:v4+s9+$0x0], $0xffff  }
0x50: {  	s23 =	simm.s32 $0x100C0;
	v6 =	vld.idx.msk [tilespmem:v5+s9+$0x0], $0xffff  }
0x51: {  	[tilespmem:s23+$0x30] =	vst v11;
	v5 =	vld.idx.msk [tilespmem:v7+s9+$0x0], $0xffff;
	v4 =	vshll.u32 v10, $0x4  }
0x52: {  	[tilespmem:s23+$0xFFFFFFD0] =	vst v13;
	v7 =	vor.u32 v0, v4;
	v4 =	vld.idx.msk [tilespmem:v8+s9+$0x0], $0xffff  }
0x53: {  	[tilespmem:v9+s16+$0x0] =	vst.idx.add.s32.msk $0xffff, v2;
	v9 =	vshll.u32 v13, $0x4  }
0x54: {  	s25 =	simm.s32 $0xC0C0;
	[tilespmem:s23+$0xFFFFFFE0] =	vst v14;
	v8 =	vor.u32 v0, v9;
	v9 =	vshll.u32 v14, $0x4;
	v11 =	vshll.u32 v12, $0x4  }
0x55: {  	s24 =	simm.s32 $0x8;
	s26 =	simm.s32 $0x10;
	[tilespmem:s23+$0xFFFFFFC0] =	vst v10;
	v13 =	vld [tilespmem:s25+$0x30];
	v10 =	vor.u32 v0, v9;
	v9 =	vor.u32 v0, v11;
	v11 =	vshll.u32 v6, $0x4  }
.LBB2_4:
0x56: {  	p0 =	slt.u32 s26, $0x3F8;
	v14 =	vld [tilespmem:s25+$0xFFFFFFD0];
	[tilespmem:s23+$0xFFFFFFF0] =	vst v12;
	v11 =	vor.u32 v0, v11;
	v12 =	vshll.u32 v5, $0x4  }
0x57: {  	v15 =	vld [tilespmem:s25+$0xFFFFFFE0];
	[tilespmem:s23+$0x0] =	vst v6;
	v16 =	vor.u32 v0, v12;
	v6 =	vshll.u32 v4, $0x4  }
0x58: {  	v12 =	vld [tilespmem:s25+$0xFFFFFFF0];
	[tilespmem:s23+$0x10] =	vst v5;
	v17 =	vor.u32 v0, v6  }
0x59: {  	v5 =	vld [tilespmem:s25+$0x0];
	[tilespmem:s23+$0x20] =	vst v4  }
0x5a: {  	v4 =	vld [tilespmem:s25+$0x10]  }
0x5b: {  	v6 =	vld [tilespmem:s25+$0x20]  }
0x5c: {  	v18 =	vld [tilespmem:s25+$0xFFFFFFC0]  }
0x5d: {  	v13 =	vld.idx.msk [tilespmem:v13+s9+$0x0], $0xffff  }
0x5e: {  	v14 =	vld.idx.msk [tilespmem:v14+s9+$0x0], $0xffff  }
0x5f: {  	v15 =	vld.idx.msk [tilespmem:v15+s9+$0x0], $0xffff  }
0x60: {  	v12 =	vld.idx.msk [tilespmem:v12+s9+$0x0], $0xffff  }
0x61: {  	v5 =	vld.idx.msk [tilespmem:v5+s9+$0x0], $0xffff  }
0x62: {  	v4 =	vld.idx.msk [tilespmem:v4+s9+$0x0], $0xffff  }
0x63: {  	v13 =	vshll.u32 v13, $0x4;
	v6 =	vld.idx.msk [tilespmem:v6+s9+$0x0], $0xffff  }
0x64: {  	s28 =	sadd.s32 $0x7, s24;
	v14 =	vshll.u32 v14, $0x4;
	v13 =	vor.u32 v0, v13;
	v18 =	vld.idx.msk [tilespmem:v18+s9+$0x0], $0xffff  }
0x65: {  	v19 =	vor.u32 s28, v3;
	v14 =	vor.u32 v0, v14;
	v15 =	vshll.u32 v15, $0x4;
	[tilespmem:v7+s16+$0x0] =	vst.idx.add.s32.msk $0xffff, v2  }
0x66: {  	v7 =	vor.u32 v0, v15;
	v12 =	vshll.u32 v12, $0x4;
	[tilespmem:v8+s16+$0x0] =	vst.idx.add.s32.msk $0xffff, v2  }
0x67: {  	v8 =	vor.u32 v0, v12;
	v5 =	vshll.u32 v5, $0x4;
	[tilespmem:v10+s16+$0x0] =	vst.idx.add.s32.msk $0xffff, v2  }
0x68: {  	v5 =	vor.u32 v0, v5;
	v4 =	vshll.u32 v4, $0x4;
	[tilespmem:v9+s16+$0x0] =	vst.idx.add.s32.msk $0xffff, v2  }
0x69: {  	v4 =	vor.u32 v0, v4;
	v6 =	vshll.u32 v6, $0x4;
	[tilespmem:v13+s15+$0x0] =	vst.idx.add.s32.msk $0xffff, v2  }
0x6a: {  	v9 =	vshll.u32 v18, $0x4;
	v6 =	vor.u32 v0, v6;
	v10 =	vld.idx.msk [tilespmem:v19+s9+$0x0], $0xffff  }
0x6b: {  	v9 =	vor.u32 v0, v9;
	[tilespmem:v14+s15+$0x0] =	vst.idx.add.s32.msk $0xffff, v2  }
0x6c: {  	[tilespmem:v7+s15+$0x0] =	vst.idx.add.s32.msk $0xffff, v2  }
0x6d: {  	s28 =	sadd.s32 $0x1, s24;
	v7 =	vor.u32 s24, v3;
	[tilespmem:v8+s15+$0x0] =	vst.idx.add.s32.msk $0xffff, v2  }
0x6e: {  	v8 =	vor.u32 s28, v3;
	s28 =	sadd.s32 $0x2, s24;
	[tilespmem:v5+s15+$0x0] =	vst.idx.add.s32.msk $0xffff, v2  }
0x6f: {  	v5 =	vor.u32 s28, v3;
	s28 =	sadd.s32 $0x3, s24;
	[tilespmem:v4+s15+$0x0] =	vst.idx.add.s32.msk $0xffff, v2  }
0x70: {  	v4 =	vor.u32 s28, v3;
	[tilespmem:v9+s15+$0x0] =	vst.idx.add.s32.msk $0xffff, v2;
	v9 =	vshll.u32 v10, $0x4  }
0x71: {  	s28 =	sadd.s32 $0x4, s24;
	[tilespmem:v6+s15+$0x0] =	vst.idx.add.s32.msk $0xffff, v2;
	v6 =	vor.u32 v0, v9  }
0x72: {  	v9 =	vor.u32 s28, v3;
	s28 =	sadd.s32 $0x5, s24;
	v7 =	vld.idx.msk [tilespmem:v7+s9+$0x0], $0xffff  }
0x73: {  	v13 =	vor.u32 s28, v3;
	s28 =	sadd.s32 $0x6, s24;
	s24 =	smov.u32 s26;
	v8 =	vld.idx.msk [tilespmem:v8+s9+$0x0], $0xffff  }
0x74: {  	s23 =	sadd.s32 $0x80, s23;
	v15 =	vor.u32 s28, v3;
	v14 =	vld.idx.msk [tilespmem:v5+s9+$0x0], $0xffff  }
0x75: {  	v12 =	vld.idx.msk [tilespmem:v4+s9+$0x0], $0xffff;
	[tilespmem:s23+$0x30] =	vst v10  }
0x76: {  	[tilespmem:v6+s16+$0x0] =	vst.idx.add.s32.msk $0xffff, v2  }
0x77: {  	v6 =	vld.idx.msk [tilespmem:v9+s9+$0x0], $0xffff  }
0x78: {  	v4 =	vshll.u32 v7, $0x4;
	[tilespmem:s23+$0xFFFFFFC0] =	vst v7;
	v5 =	vld.idx.msk [tilespmem:v13+s9+$0x0], $0xffff  }
.Ltmp1:
0x79: {  	v7 =	vor.u32 v0, v4;
	[tilespmem:s23+$0xFFFFFFD0] =	vst v8;
	v8 =	vshll.u32 v8, $0x4;
	v4 =	vld.idx.msk [tilespmem:v15+s9+$0x0], $0xffff;
	(pc) =	sbr.rel @p0 .LBB2_4-.Ltmp1, $4  }
0x7a: {  	v9 =	vshll.u32 v14, $0x4;
	v8 =	vor.u32 v0, v8;
	[tilespmem:v11+s16+$0x0] =	vst.idx.add.s32.msk $0xffff, v2  }
0x7b: {  	v10 =	vor.u32 v0, v9;
	v9 =	vshll.u32 v12, $0x4;
	[tilespmem:v16+s16+$0x0] =	vst.idx.add.s32.msk $0xffff, v2  }
0x7c: {  	s25 =	sadd.s32 $0x80, s25;
	v9 =	vor.u32 v0, v9;
	[tilespmem:v17+s16+$0x0] =	vst.idx.add.s32.msk $0xffff, v2  }
0x7d: {  	s26 =	sadd.s32 $0x8, s26;
	v11 =	vshll.u32 v6, $0x4;
	v13 =	vld [tilespmem:s25+$0x30];
	[tilespmem:s23+$0xFFFFFFE0] =	vst v14  }
0x7e: {  	v14 =	vld [tilespmem:s25+$0xFFFFFFD0]  }
0x7f: {  	v15 =	vld [tilespmem:s25+$0xFFFFFFE0]  }
0x80: {  	v16 =	vld [tilespmem:s25+$0xFFFFFFF0]  }
0x81: {  	v17 =	vld [tilespmem:s25+$0x0]  }
0x82: {  	v18 =	vld [tilespmem:s25+$0x10]  }
0x83: {  	v19 =	vld [tilespmem:s25+$0x20]  }
0x84: {  	v20 =	vld [tilespmem:s25+$0xFFFFFFC0]  }
0x85: {  	[tilespmem:v7+s16+$0x0] =	vst.idx.add.s32.msk $0xffff, v2  }
0x86: {  	[tilespmem:v8+s16+$0x0] =	vst.idx.add.s32.msk $0xffff, v2  }
0x87: {  	[tilespmem:v10+s16+$0x0] =	vst.idx.add.s32.msk $0xffff, v2  }
0x88: {  	[tilespmem:s23+$0xFFFFFFF0] =	vst v12;
	v13 =	vld.idx.msk [tilespmem:v13+s9+$0x0], $0xffff  }
0x89: {  	[tilespmem:v9+s16+$0x0] =	vst.idx.add.s32.msk $0xffff, v2  }
0x8a: {  	v14 =	vld.idx.msk [tilespmem:v14+s9+$0x0], $0xffff  }
0x8b: {  	v15 =	vld.idx.msk [tilespmem:v15+s9+$0x0], $0xffff  }
0x8c: {  	[tilespmem:s23+$0x10] =	vst v5;
	v11 =	vor.u32 v0, v11;
	v5 =	vshll.u32 v5, $0x4;
	v16 =	vld.idx.msk [tilespmem:v16+s9+$0x0], $0xffff  }
0x8d: {  	v5 =	vor.u32 v0, v5;
	v17 =	vld.idx.msk [tilespmem:v17+s9+$0x0], $0xffff;
	v13 =	vshll.u32 v13, $0x4  }
0x8e: {  	s29 =	sadd.s32 $0x7, s24;
	v18 =	vld.idx.msk [tilespmem:v18+s9+$0x0], $0xffff;
	v13 =	vor.u32 v0, v13  }
0x8f: {  	v7 =	vor.u32 s29, v3;
	v41 =	vld.idx.msk [tilespmem:v20+s9+$0x0], $0xffff;
	v14 =	vshll.u32 v14, $0x4  }
0x90: {  	[tilespmem:s23+$0x0] =	vst v6;
	v19 =	vld.idx.msk [tilespmem:v19+s9+$0x0], $0xffff;
	v15 =	vshll.u32 v15, $0x4;
	v14 =	vor.u32 v0, v14  }
0x91: {  	[tilespmem:v11+s16+$0x0] =	vst.idx.add.s32.msk $0xffff, v2;
	v43 =	vshll.u32 v16, $0x4;
	v42 =	vor.u32 v0, v15  }
0x92: {  	[tilespmem:v5+s16+$0x0] =	vst.idx.add.s32.msk $0xffff, v2;
	v45 =	vshll.u32 v17, $0x4;
	v44 =	vor.u32 v0, v43  }
0x93: {  	v47 =	vshll.u32 v18, $0x4;
	v46 =	vor.u32 v0, v45;
	[tilespmem:v13+s15+$0x0] =	vst.idx.add.s32.msk $0xffff, v2  }
0x94: {  	v12 =	vshll.u32 v41, $0x4;
	v48 =	vor.u32 v0, v47;
	v7 =	vld.idx.msk [tilespmem:v7+s9+$0x0], $0xffff  }
0x95: {  	v49 =	vshll.u32 v19, $0x4;
	v12 =	vor.u32 v0, v12;
	[tilespmem:v14+s15+$0x0] =	vst.idx.add.s32.msk $0xffff, v2  }
0x96: {  	v50 =	vor.u32 v0, v49;
	[tilespmem:v42+s15+$0x0] =	vst.idx.add.s32.msk $0xffff, v2  }
0x97: {  	v51 =	vor.u32 s24, v3;
	s30 =	sadd.s32 $0x1, s24;
	[tilespmem:v44+s15+$0x0] =	vst.idx.add.s32.msk $0xffff, v2  }
0x98: {  	s31 =	sadd.s32 $0x2, s24;
	v52 =	vor.u32 s30, v3;
	[tilespmem:v46+s15+$0x0] =	vst.idx.add.s32.msk $0xffff, v2  }
0x99: {  	s26 =	sadd.s32 $0x3, s24;
	v53 =	vor.u32 s31, v3;
	[tilespmem:v48+s15+$0x0] =	vst.idx.add.s32.msk $0xffff, v2  }
0x9a: {  	v54 =	vor.u32 s26, v3;
	s29 =	sadd.s32 $0x5, s24;
	[tilespmem:v12+s15+$0x0] =	vst.idx.add.s32.msk $0xffff, v2  }
0x9b: {  	s30 =	sadd.s32 $0x6, s24;
	v57 =	vor.u32 s29, v3;
	[tilespmem:v50+s15+$0x0] =	vst.idx.add.s32.msk $0xffff, v2  }
0x9c: {  	s28 =	sadd.s32 $0x4, s24;
	v58 =	vor.u32 s30, v3;
	v8 =	vld.idx.msk [tilespmem:v51+s9+$0x0], $0xffff  }
0x9d: {  	v56 =	vor.u32 s28, v3;
	v6 =	vld.idx.msk [tilespmem:v52+s9+$0x0], $0xffff  }
0x9e: {  	v9 =	vld.idx.msk [tilespmem:v53+s9+$0x0], $0xffff  }
0x9f: {  	[tilespmem:s23+$0x20] =	vst v4;
	s31 =	sadd.s32 $0x80, s23;
	v12 =	vld.idx.msk [tilespmem:v54+s9+$0x0], $0xffff  }
0xa0: {  	v10 =	vld.idx.msk [tilespmem:v57+s9+$0x0], $0xffff;
	[tilespmem:s31+$0x30] =	vst v7  }
0xa1: {  	v59 =	vld.idx.msk [tilespmem:v58+s9+$0x0], $0xffff;
	[tilespmem:s31+$0xFFFFFFC0] =	vst v8  }
0xa2: {  	v55 =	vshll.u32 v7, $0x4;
	v7 =	vshll.u32 v4, $0x4;
	v4 =	vld.idx.msk [tilespmem:v56+s9+$0x0], $0xffff;
	[tilespmem:s31+$0xFFFFFFD0] =	vst v6  }
0xa3: {  	v13 =	vor.u32 v0, v55;
	[tilespmem:s31+$0xFFFFFFE0] =	vst v9  }
0xa4: {  	v7 =	vor.u32 v0, v7;
	v5 =	vshll.u32 v8, $0x4;
	[tilespmem:s31+$0xFFFFFFF0] =	vst v12  }
0xa5: {  	v6 =	vshll.u32 v6, $0x4;
	[tilespmem:s31+$0x10] =	vst v10;
	v5 =	vor.u32 v0, v5  }
0xa6: {  	v60 =	vshll.u32 v12, $0x4;
	[tilespmem:s31+$0x20] =	vst v59;
	v6 =	vor.u32 v0, v6  }
0xa7: {  	[tilespmem:s31+$0x0] =	vst v4;
	v8 =	vor.u32 v0, v60;
	v4 =	vshll.u32 v4, $0x4  }
0xa8: {  	v61 =	vshll.u32 v10, $0x4;
	[tilespmem:v13+s16+$0x0] =	vst.idx.add.s32.msk $0xffff, v2;
	v4 =	vor.u32 v0, v4  }
0xa9: {  	[tilespmem:v7+s16+$0x0] =	vst.idx.add.s32.msk $0xffff, v2;
	v7 =	vshll.u32 v9, $0x4;
	v9 =	vor.u32 v0, v61  }
0xaa: {  	v62 =	vshll.u32 v59, $0x4;
	v7 =	vor.u32 v0, v7;
	[tilespmem:v5+s16+$0x0] =	vst.idx.add.s32.msk $0xffff, v2  }
0xab: {  	v5 =	vor.u32 v0, v62;
	[tilespmem:v6+s16+$0x0] =	vst.idx.add.s32.msk $0xffff, v2  }
0xac: {  	[tilespmem:v8+s16+$0x0] =	vst.idx.add.s32.msk $0xffff, v2  }
0xad: {  	[tilespmem:v4+s16+$0x0] =	vst.idx.add.s32.msk $0xffff, v2  }
0xae: {  	[tilespmem:v9+s16+$0x0] =	vst.idx.add.s32.msk $0xffff, v2  }
0xaf: {  	[tilespmem:v7+s16+$0x0] =	vst.idx.add.s32.msk $0xffff, v2  }
0xb0: {  	s23 =	simm.s32 $0x0;
	[tilespmem:v5+s16+$0x0] =	vst.idx.add.s32.msk $0xffff, v2  }
0xb1: {  	v4 =	vld [tilespmem:s23+$0x1C100];
	_ =	sdelay $0x2  }
0xb2: {  	v5 =	vld [tilespmem:s23+$0x1C900];
	_ =	sdelay $0x1  }
0xb3: {  	(xrf0) =	vadd.scan.msk.s32 $0xffff, v4;
	_ =	sdelay $0x2  }
0xb4: {  	(xrf0) =	vadd.scan.msk.s32 $0xffff, v5;
	_ =	sdelay $0x2  }
0xb5: {  	v6, _, _ =	vpop (xrf0)  }
0xb6: {  	(v2sf) =	vpush v6, $0xF  }
0xb7: {  	v4 =	vsub.s32 s22, v4  }
0xb8: {  	v5 =	vsub.s32 s22, v5;
	v7, _, _ =	vpop (xrf0);
	v63 =	vadd.s32 v6, v4  }
0xb9: {  	s25 =	simm.s32 $0x10;
	s24 =	simm.s32 $0x80;
	v4 =	vadd.s32 v7, v5;
	[tilespmem:s23+$0x1C100] =	vst v63  }
.LBB2_6:
0xba: {  	p0 =	sne.s32 s24, $0x1FC0;
	v5 =	vld [tilespmem:s25+$0x1C100];
	[tilespmem:s23+$0x1C900] =	vst v4;
	s23 =	smov.u32 s25;
	_ =	sdelay $0x1  }
0xbb: {  	v4 =	vld [tilespmem:s23+$0x1C900];
	_ =	sdelay $0x2  }
0xbc: {  	(xrf0) =	vadd.scan.msk.s32 $0xffff, v5;
	_ =	sdelay $0x1  }
0xbd: {  	(xrf0) =	vadd.scan.msk.s32 $0xffff, v4;
	_ =	sdelay $0x3  }
.Ltmp2:
0xbe: {  	v6, _, _ =	vpop (xrf0);
	s25 =	spop (v2sf);
	(pc) =	sbr.rel @p0 .LBB2_6-.Ltmp2, $4  }
0xbf: {  	(v2sf) =	vpush v6, $0xF;
	s22 =	sadd.s32 s22, s25  }
0xc0: {  	v5 =	vsub.s32 s22, v5;
	v4 =	vsub.s32 s22, v4;
	v7, _, _ =	vpop (xrf0)  }
0xc1: {  	v5 =	vadd.s32 v6, v5;
	v4 =	vadd.s32 v7, v4  }
0xc2: {  	s25 =	sshra.s32 s24, $0x2;
	s24 =	sadd.s32 $0x40, s24;
	[tilespmem:s23+$0x1C100] =	vst v5  }
0xc3: {  	_ =	sdelay $0x1  }
0xc4: {  	v5 =	vld [tilespmem:s25+$0x1C100];
	[tilespmem:s23+$0x1C900] =	vst v4  }
0xc5: {  	v4 =	vld [tilespmem:s25+$0x1C900];
	_ =	sdelay $0x3  }
0xc6: {  	(xrf0) =	vadd.scan.msk.s32 $0xffff, v5  }
0xc7: {  	(xrf0) =	vadd.scan.msk.s32 $0xffff, v4;
	_ =	sdelay $0x2  }
0xc8: {  	s30 =	spop (v2sf)  }
0xc9: {  	s22 =	sadd.s32 s22, s30  }
0xca: {  	v6, _, _ =	vpop (xrf0);
	v5 =	vsub.s32 s22, v5  }
0xcb: {  	v7, _, _ =	vpop (xrf0);
	v4 =	vsub.s32 s22, v4;
	v5 =	vadd.s32 v6, v5  }
0xcc: {  	v4 =	vadd.s32 v7, v4;
	[tilespmem:s25+$0x1C100] =	vst v5  }
0xcd: {  	[tilespmem:s25+$0x1C900] =	vst v4  }
0xce: {  	v4 =	vld [tilespmem:$0xC000];
	_ =	sdelay $0x3  }
0xcf: {  	[tilespmem:$0x14080] =	vst v1  }
0xd0: {  	[tilespmem:$0x14090] =	vst v1  }
0xd1: {  	[tilespmem:$0x10000] =	vst v1;
	v5 =	vld [tilespmem:$0x10080]  }
0xd2: {  	[tilespmem:$0x10010] =	vst v1  }
0xd3: {  	v7 =	vld.idx.msk [tilespmem:v4+s9+$0x0], $0xffff;
	_ =	sdelay $0x2  }
0xd4: {  	(v2sf) =	vpush v6, $0xF;
	v5 =	vshll.u32 v5, $0x4  }
0xd5: {  	v9 =	vor.u32 v0, v5  }
0xd6: {  	s22 =	simm.s32 $0xC010;
	v5 =	vshll.u32 v7, $0x4  }
0xd7: {  	v10 =	vor.u32 v0, v5;
	v5 =	vld [tilespmem:s22+$0x0];
	_ =	sdelay $0x2  }
0xd8: {  	v7 =	vld.idx.msk [tilespmem:v9+s16+$0x0], $0xffff;
	_ =	sdelay $0x1  }
0xd9: {  	s23 =	simm.s32 $0x10090;
	v6 =	vld.idx.msk [tilespmem:v10+s15+$0x0], $0xffff  }
0xda: {  	v11 =	vld [tilespmem:s23+$0x0];
	_ =	sdelay $0x1  }
0xdb: {  	v8 =	vld.idx.msk [tilespmem:v5+s9+$0x0], $0xffff  }
0xdc: {  	s24 =	simm.s32 $0x0;
	v12 =	vadd.s32 $0x1, v7  }
0xdd: {  	[tilespmem:v9+s16+$0x0] =	vst.idx.msk $0xffff, v12;
	v9 =	vor.u32 s24, v3  }
0xde: {  	v11 =	vshll.u32 v11, $0x4;
	[tilespmem:v7+s17+$0x0] =	vst.idx.msk $0xffff, v9;
	v9 =	vadd.s32 $0x1, v6  }
0xdf: {  	s25 =	simm.s32 $0x2;
	s31 =	spop (v2sf);
	s24 =	simm.s32 $0x1;
	v7 =	vor.u32 v0, v11;
	[tilespmem:v10+s15+$0x0] =	vst.idx.msk $0xffff, v9  }
.LBB2_8:
0xe0: {  	p0 =	sne.s32 s25, $0x3FF;
	v8 =	vshll.u32 v8, $0x4;
	[tilespmem:v6+s18+$0x0] =	vst.idx.msk $0xffff, v4;
	s22 =	sadd.s32 $0x10, s22;
	s23 =	sadd.s32 $0x10, s23;
	v4 =	vmov v5  }
0xe1: {  	s26 =	smov.u32 s25;
	s25 =	sadd.s32 $0x1, s25;
	v9 =	vor.u32 v0, v8;
	v5 =	vld [tilespmem:s22+$0x0];
	_ =	sdelay $0x2  }
0xe2: {  	v10 =	vld.idx.msk [tilespmem:v7+s16+$0x0], $0xffff;
	_ =	sdelay $0x1  }
0xe3: {  	v6 =	vld.idx.msk [tilespmem:v9+s15+$0x0], $0xffff  }
0xe4: {  	v11 =	vld [tilespmem:s23+$0x0];
	_ =	sdelay $0x1  }
.Ltmp3:
0xe5: {  	v8 =	vld.idx.msk [tilespmem:v5+s9+$0x0], $0xffff;
	(pc) =	sbr.rel @p0 .LBB2_8-.Ltmp3, $4  }
0xe6: {  	v12 =	vadd.s32 $0x1, v10  }
0xe7: {  	[tilespmem:v7+s16+$0x0] =	vst.idx.msk $0xffff, v12;
	v7 =	vor.u32 s24, v3;
	s24 =	smov.u32 s26  }
0xe8: {  	v11 =	vshll.u32 v11, $0x4;
	[tilespmem:v10+s17+$0x0] =	vst.idx.msk $0xffff, v7;
	v10 =	vadd.s32 $0x1, v6  }
0xe9: {  	v7 =	vor.u32 v0, v11;
	[tilespmem:v9+s15+$0x0] =	vst.idx.msk $0xffff, v10  }
0xea: {  	_ = 	snop  }
0xeb: {  	v8 =	vshll.u32 v8, $0x4  }
0xec: {  	v8 =	vor.u32 v0, v8;
	_ =	sdelay $0x1  }
0xed: {  	[tilespmem:v6+s18+$0x0] =	vst.idx.msk $0xffff, v4  }
0xee: {  	v4 =	vld.idx.msk [tilespmem:v7+s16+$0x0], $0xffff;
	_ =	sdelay $0x1  }
0xef: {  	v6 =	vld.idx.msk [tilespmem:v8+s15+$0x0], $0xffff;
	_ =	sdelay $0x3  }
0xf0: {  	v9 =	vadd.s32 $0x1, v4  }
0xf1: {  	[tilespmem:v7+s16+$0x0] =	vst.idx.msk $0xffff, v9;
	v7 =	vor.u32 s24, v3  }
0xf2: {  	[tilespmem:v4+s17+$0x0] =	vst.idx.msk $0xffff, v7;
	v4 =	vadd.s32 $0x1, v6  }
0xf3: {  	[tilespmem:v8+s15+$0x0] =	vst.idx.msk $0xffff, v4  }
0xf4: {  	[tilespmem:v6+s18+$0x0] =	vst.idx.msk $0xffff, v5  }
0xf5: {  	_ =	swait.ge [sflag:s14], $0x4000  }
0xf6: {  	[sflag:s14] =	ssyncset.done $0x0  }
0xf7: {  	[sflag:s14] =	ssyncadd.s32 $0xFFFFC000  }
0xf8: {  	_ =	swait.ge [sflag:s14], $0x4000  }
0xf9: {  	[sflag:s14] =	ssyncset.done $0x0  }
0xfa: {  	s23 =	simm.s32 $0x14140;
	[sflag:s14] =	ssyncadd.s32 $0xFFFFC000  }
0xfb: {  	s22 =	simm.s32 $0x18140;
	v6 =	vld [tilespmem:s23+$0x30]  }
0xfc: {  	v7 =	vld [tilespmem:s22+$0x30]  }
0xfd: {  	v9 =	vld [tilespmem:s23+$0x20]  }
0xfe: {  	v10 =	vld [tilespmem:s22+$0x20]  }
0xff: {  	v8 =	vld [tilespmem:s23+$0x10]  }
0x100: {  	v11 =	vld [tilespmem:s22+$0x10]  }
0x101: {  	v12 =	vld [tilespmem:s23+$0x0]  }
0x102: {  	v13 =	vld [tilespmem:s22+$0x0]  }
0x103: {  	v14 =	vld [tilespmem:s23+$0xFFFFFFF0]  }
0x104: {  	v15 =	vld [tilespmem:s22+$0xFFFFFFF0]  }
0x105: {  	v16 =	vld [tilespmem:s23+$0xFFFFFFE0]  }
0x106: {  	v17 =	vld [tilespmem:s22+$0xFFFFFFE0]  }
0x107: {  	v18 =	vld [tilespmem:s23+$0xFFFFFFD0]  }
0x108: {  	v19 =	vld [tilespmem:s22+$0xFFFFFFD0]  }
0x109: {  	v20 =	vld [tilespmem:s23+$0xFFFFFFC0]  }
0x10a: {  	v21 =	vld [tilespmem:s22+$0xFFFFFFC0]  }
0x10b: {  	v4 =	vld.idx.msk [tilespmem:v6+s5+$0x0], $0xffff  }
0x10c: {  	v5 =	vld.idx.msk [tilespmem:v7+s5+$0x0], $0xffff  }
0x10d: {  	v22 =	vld.idx.msk [tilespmem:v9+s5+$0x0], $0xffff  }
0x10e: {  	v23 =	vld.idx.msk [tilespmem:v10+s5+$0x0], $0xffff  }
0x10f: {  	v24 =	vld.idx.msk [tilespmem:v8+s5+$0x0], $0xffff  }
0x110: {  	v25 =	vld.idx.msk [tilespmem:v11+s5+$0x0], $0xffff  }
0x111: {  	v26 =	vld.idx.msk [tilespmem:v12+s5+$0x0], $0xffff  }
0x112: {  	v27 =	vld.idx.msk [tilespmem:v13+s5+$0x0], $0xffff  }
0x113: {  	v28 =	vld.idx.msk [tilespmem:v14+s5+$0x0], $0xffff  }
0x114: {  	v29 =	vld.idx.msk [tilespmem:v15+s5+$0x0], $0xffff  }
0x115: {  	v30 =	vld.idx.msk [tilespmem:v18+s13+$0x0], $0xffff  }
0x116: {  	v31 =	vld.idx.msk [tilespmem:v16+s5+$0x0], $0xffff  }
0x117: {  	v32 =	vld.idx.msk [tilespmem:v20+s13+$0x0], $0xffff  }
0x118: {  	v20 =	vld.idx.msk [tilespmem:v20+s5+$0x0], $0xffff  }
0x119: {  	v33 =	vld.idx.msk [tilespmem:v21+s5+$0x0], $0xffff  }
0x11a: {  	v18 =	vld.idx.msk [tilespmem:v18+s5+$0x0], $0xffff  }
0x11b: {  	v34 =	vld.idx.msk [tilespmem:v19+s5+$0x0], $0xffff  }
0x11c: {  	v21 =	vld.idx.msk [tilespmem:v21+s13+$0x0], $0xffff  }
0x11d: {  	v35 =	vld.idx.msk [tilespmem:v17+s5+$0x0], $0xffff  }
0x11e: {  	v19 =	vld.idx.msk [tilespmem:v19+s13+$0x0], $0xffff  }
0x11f: {  	v16 =	vld.idx.msk [tilespmem:v16+s13+$0x0], $0xffff;
	v20 =	vsub.f32 v20, v33  }
0x120: {  	v17 =	vld.idx.msk [tilespmem:v17+s13+$0x0], $0xffff  }
0x121: {  	v14 =	vld.idx.msk [tilespmem:v14+s13+$0x0], $0xffff;
	v18 =	vsub.f32 v18, v34;
	v33 =	vsub.f32 $0.0e+00, v20  }
0x122: {  	v61 =	vimm.f32 $0.0e+00;
	v15 =	vld.idx.msk [tilespmem:v15+s13+$0x0], $0xffff;
	vm0 =	vgt.f32 v32, v21  }
0x123: {  	v63 =	vld.idx.msk [tilespmem:v12+s13+$0x0], $0xffff;
	v31 =	vsub.f32 v31, v35;
	v62 =	vsub.f32 $0.0e+00, v18;
	v20 =	vsel vm0, v33, v20  }
0x124: {  	v8 =	vld.idx.msk [tilespmem:v8+s13+$0x0], $0xffff;
	vm0 =	vgt.f32 v30, v19;
	v19 =	vsub.f32 v28, v29;
	v12 =	vmax.f32 v20, $0.0e+00  }
0x125: {  	v20 =	vld.idx.msk [tilespmem:v13+s13+$0x0], $0xffff;
	v13 =	vsel vm0, v62, v18;
	v18 =	vsub.f32 $0.0e+00, v31;
	v12 =	vadd.f32 v12, v61  }
0x126: {  	v11 =	vld.idx.msk [tilespmem:v11+s13+$0x0], $0xffff;
	vm0 =	vgt.f32 v16, v17;
	v21 =	vmax.f32 v13, $0.0e+00;
	v13 =	vsub.f32 v26, v27  }
0x127: {  	v9 =	vld.idx.msk [tilespmem:v9+s13+$0x0], $0xffff;
	v16 =	vadd.f32 v21, v12;
	v12 =	vsel vm0, v18, v31;
	v18 =	vsub.f32 $0.0e+00, v19  }
0x128: {  	vm0 =	vgt.f32 v14, v15;
	v15 =	vsub.f32 v24, v25;
	v17 =	vmax.f32 v12, $0.0e+00;
	v12 =	vld.idx.msk [tilespmem:v10+s13+$0x0], $0xffff  }
0x129: {  	v10 =	vld.idx.msk [tilespmem:v6+s13+$0x0], $0xffff;
	v17 =	vadd.f32 v17, v16;
	v14 =	vsel vm0, v18, v19;
	v18 =	vsub.f32 $0.0e+00, v13  }
0x12a: {  	s24 =	simm.s32 $0x141C0;
	s23 =	simm.s32 $0x0;
	vm0 =	vgt.f32 v63, v20;
	v16 =	vsub.f32 v22, v23;
	v19 =	vmax.f32 v14, $0.0e+00;
	v14 =	vld.idx.msk [tilespmem:v7+s13+$0x0], $0xffff  }
.LBB2_10:
0x12b: {  	v6 =	vld [tilespmem:s24+$0x30];
	v17 =	vadd.f32 v19, v17;
	v13 =	vsel vm0, v18, v13;
	v18 =	vsub.f32 $0.0e+00, v15;
	s22 =	sadd.s32 $0x80, s22  }
0x12c: {  	vm0 =	vgt.f32 v8, v11;
	v4 =	vsub.f32 v4, v5;
	v7 =	vld [tilespmem:s22+$0x30];
	v13 =	vmax.f32 v13, $0.0e+00  }
0x12d: {  	v11 =	vsub.f32 $0.0e+00, v16;
	v19 =	vld [tilespmem:s24+$0x20];
	v5 =	vadd.f32 v13, v17;
	v8 =	vsel vm0, v18, v15  }
0x12e: {  	vm0 =	vgt.f32 v9, v12;
	v17 =	vld [tilespmem:s22+$0x20];
	v8 =	vmax.f32 v8, $0.0e+00  }
0x12f: {  	v9 =	vld [tilespmem:s24+$0x10];
	v5 =	vadd.f32 v8, v5;
	v8 =	vsel vm0, v11, v16;
	v11 =	vsub.f32 $0.0e+00, v4  }
0x130: {  	vm0 =	vgt.f32 v10, v14;
	v12 =	vld [tilespmem:s22+$0x10];
	v8 =	vmax.f32 v8, $0.0e+00  }
0x131: {  	v10 =	vld [tilespmem:s24+$0x0];
	v5 =	vadd.f32 v8, v5;
	v4 =	vsel vm0, v11, v4  }
0x132: {  	v8 =	vld [tilespmem:s22+$0x0];
	v4 =	vmax.f32 v4, $0.0e+00  }
0x133: {  	v11 =	vld [tilespmem:s24+$0xFFFFFFF0];
	v13 =	vadd.f32 v4, v5  }
0x134: {  	v14 =	vld [tilespmem:s22+$0xFFFFFFF0]  }
0x135: {  	v15 =	vld [tilespmem:s24+$0xFFFFFFE0]  }
0x136: {  	v16 =	vld [tilespmem:s22+$0xFFFFFFE0]  }
0x137: {  	v18 =	vld [tilespmem:s24+$0xFFFFFFD0]  }
0x138: {  	v20 =	vld [tilespmem:s22+$0xFFFFFFD0]  }
0x139: {  	v21 =	vld [tilespmem:s24+$0xFFFFFFC0]  }
0x13a: {  	v22 =	vld [tilespmem:s22+$0xFFFFFFC0]  }
0x13b: {  	v4 =	vld.idx.msk [tilespmem:v6+s5+$0x0], $0xffff  }
0x13c: {  	v5 =	vld.idx.msk [tilespmem:v7+s5+$0x0], $0xffff  }
0x13d: {  	v23 =	vld.idx.msk [tilespmem:v19+s5+$0x0], $0xffff  }
0x13e: {  	v24 =	vld.idx.msk [tilespmem:v17+s5+$0x0], $0xffff  }
0x13f: {  	v25 =	vld.idx.msk [tilespmem:v9+s5+$0x0], $0xffff  }
0x140: {  	v26 =	vld.idx.msk [tilespmem:v12+s5+$0x0], $0xffff  }
0x141: {  	s23 =	sadd.s32 $0x8, s23;
	v27 =	vld.idx.msk [tilespmem:v10+s5+$0x0], $0xffff  }
0x142: {  	p0 =	slt.u32 s23, $0x3F8;
	v28 =	vld.idx.msk [tilespmem:v8+s5+$0x0], $0xffff  }
0x143: {  	v29 =	vld.idx.msk [tilespmem:v11+s5+$0x0], $0xffff  }
0x144: {  	v30 =	vld.idx.msk [tilespmem:v14+s5+$0x0], $0xffff  }
0x145: {  	v31 =	vld.idx.msk [tilespmem:v18+s13+$0x0], $0xffff  }
0x146: {  	v32 =	vld.idx.msk [tilespmem:v15+s5+$0x0], $0xffff  }
0x147: {  	v33 =	vld.idx.msk [tilespmem:v21+s13+$0x0], $0xffff  }
0x148: {  	v21 =	vld.idx.msk [tilespmem:v21+s5+$0x0], $0xffff  }
0x149: {  	v34 =	vld.idx.msk [tilespmem:v22+s5+$0x0], $0xffff  }
0x14a: {  	v18 =	vld.idx.msk [tilespmem:v18+s5+$0x0], $0xffff  }
0x14b: {  	v35 =	vld.idx.msk [tilespmem:v20+s5+$0x0], $0xffff  }
0x14c: {  	v22 =	vld.idx.msk [tilespmem:v22+s13+$0x0], $0xffff  }
0x14d: {  	v36 =	vld.idx.msk [tilespmem:v16+s5+$0x0], $0xffff  }
0x14e: {  	v20 =	vld.idx.msk [tilespmem:v20+s13+$0x0], $0xffff  }
0x14f: {  	v21 =	vsub.f32 v21, v34;
	v15 =	vld.idx.msk [tilespmem:v15+s13+$0x0], $0xffff  }
0x150: {  	v16 =	vld.idx.msk [tilespmem:v16+s13+$0x0], $0xffff  }
0x151: {  	v34 =	vsub.f32 $0.0e+00, v21;
	v18 =	vsub.f32 v18, v35;
	v35 =	vld.idx.msk [tilespmem:v11+s13+$0x0], $0xffff  }
0x152: {  	vm0 =	vgt.f32 v33, v22;
	v14 =	vld.idx.msk [tilespmem:v14+s13+$0x0], $0xffff  }
0x153: {  	v11 =	vsel vm0, v34, v21;
	v21 =	vsub.f32 $0.0e+00, v18;
	v22 =	vsub.f32 v32, v36;
	v32 =	vld.idx.msk [tilespmem:v10+s13+$0x0], $0xffff  }
0x154: {  	v10 =	vmax.f32 v11, $0.0e+00;
	vm0 =	vgt.f32 v31, v20;
	v20 =	vsub.f32 v29, v30;
	v29 =	vld.idx.msk [tilespmem:v8+s13+$0x0], $0xffff  }
0x155: {  	v10 =	vadd.f32 v10, v13;
	v11 =	vsel vm0, v21, v18;
	v18 =	vsub.f32 $0.0e+00, v22;
	v8 =	vld.idx.msk [tilespmem:v9+s13+$0x0], $0xffff  }
.Ltmp4:
0x156: {  	v13 =	vsub.f32 v27, v28;
	v9 =	vmax.f32 v11, $0.0e+00;
	vm0 =	vgt.f32 v15, v16;
	v11 =	vld.idx.msk [tilespmem:v12+s13+$0x0], $0xffff;
	(pc) =	sbr.rel @p0 .LBB2_10-.Ltmp4, $4  }
0x157: {  	v16 =	vsub.f32 $0.0e+00, v20;
	v10 =	vadd.f32 v9, v10;
	v12 =	vsel vm0, v18, v22;
	v9 =	vld.idx.msk [tilespmem:v19+s13+$0x0], $0xffff  }
0x158: {  	v15 =	vsub.f32 v25, v26;
	v18 =	vmax.f32 v12, $0.0e+00;
	vm0 =	vgt.f32 v35, v14;
	v12 =	vld.idx.msk [tilespmem:v17+s13+$0x0], $0xffff  }
0x159: {  	v17 =	vadd.f32 v18, v10;
	v14 =	vsel vm0, v16, v20;
	v18 =	vsub.f32 $0.0e+00, v13;
	v10 =	vld.idx.msk [tilespmem:v6+s13+$0x0], $0xffff  }
0x15a: {  	s24 =	sadd.s32 $0x80, s24;
	v16 =	vsub.f32 v23, v24;
	v19 =	vmax.f32 v14, $0.0e+00;
	vm0 =	vgt.f32 v32, v29;
	v14 =	vld.idx.msk [tilespmem:v7+s13+$0x0], $0xffff  }
0x15b: {  	v6 =	vadd.f32 v19, v17;
	v7 =	vsel vm0, v18, v13;
	v59 =	vsub.f32 $0.0e+00, v15  }
0x15c: {  	vm13 =	vgt.f32 v8, v11;
	v4 =	vsub.f32 v4, v5;
	v7 =	vmax.f32 v7, $0.0e+00  }
0x15d: {  	v61 =	vsub.f32 $0.0e+00, v16;
	v5 =	vadd.f32 v7, v6;
	v60 =	vsel vm13, v59, v15  }
0x15e: {  	vm14 =	vgt.f32 v9, v12;
	v6 =	vmax.f32 v60, $0.0e+00  }
0x15f: {  	v63 =	vsub.f32 $0.0e+00, v4;
	v62 =	vsel vm14, v61, v16;
	v5 =	vadd.f32 v6, v5  }
0x160: {  	v6 =	vmax.f32 v62, $0.0e+00;
	vm15 =	vgt.f32 v10, v14  }
0x161: {  	v4 =	vsel vm15, v63, v4;
	v5 =	vadd.f32 v6, v5  }
0x162: {  	v4 =	vmax.f32 v4, $0.0e+00  }
0x163: {  	v4 =	vadd.f32 v4, v5;
	_ =	sdelay $0x1  }
0x164: {  	s21 =	sadd.s32 $0x1, s21;
	v4 =	vmul.f32 $1.907348630e-06, v4  }
0x165: {  	p0 =	sne.s32 s21, s8  }
.Ltmp5:
0x166: {  	[tilespmem:$0x1D100] =	vst v4;
	(pc) =	sbr.rel @p0 .LBB2_1-.Ltmp5, $4  }
0x167: {  	[hbm4b:s7+s5] =	stream.linear.scatter [tilespmem:s19], [sflag:$0x2], $0x80, $0x38;
	[tilespmem:$0x1D180] =	vst v63  }
0x168: {  	_ =	swait.ge [sflag:s20], $0x80  }
0x169: {  	[sflag:s20] =	ssyncset.done $0x0  }
0x16a: {  	[sflag:s20] =	ssyncadd.s32 $0xFFFFFF80  }
0x16b: {  	_ =	sfence.sel $0x180000  }
0x16c: {  	[bflag:$0x0] =	sbarrier.arrive $0xFFFF  }
0x16d: {  	p0 =	sne.s32 s4, $0x0;
	_ =	strace $0x90000047  }
0x16e: {  	s0 =	sadd.s32 @!p0 $0x100000, s0;
	[bflag:$0x2] =	sbarrier.arrive $0xFFFF  }
0x16f: {  	[sflag:s0] =	ssyncadd.tile.s32 @!p0 $0x1;
	_ =	shalt  }
.Lfunc_end2:
_tile_overlayer_lowered:
.L_overlay_start_2:
0x170: {  	(tag) =	ssettag $0x2  }
0x171: {  	s0 =	rddreg [dreg:$0x0];
	s2 =	stileid.u32  }
0x172: {  	s1 =	rddreg [dreg:$0x1];
	p0 =	sne.s32 s2, $0x0  }
0x173: {  	s3 =	rddreg [dreg:$0x2];
	[bflag:$0x3] =	sbarrier.arrive $0xFFFF;
	s2 =	simm.s32 @!p0 $0x1C02  }
0x174: {  	[timem:s3], [sflag:s2] =	dma.local @!p0 [hbm:s0], s1  }
0x175: {  	s0 =	simm.s32 @!p0 $0x2  }
0x176: {  	_ =	swait.ge @!p0 [sflag:s0], s1  }
0x177: {  	s1 =	ssub.s32 @!p0 $0x0, s1;
	[sflag:s0] =	ssyncset.done @!p0 $0x0  }
0x178: {  	[sflag:s0] =	ssyncadd.s32 @!p0 s1  }
0x179: {  	[bflag:$0x3] =	sbarrier.arrive $0xFFFF  }
0x17a: {  	_ =	shalt  }

</sc_bundles>
